<compile_context>
chip_gen: v7x
topology: tpu7x:2x2x1
jax: 0.10.2.dev20260603
libtpu: 0.0.44.dev20260713+nightly
codegen_flags: <defaults>
</compile_context>

<pallas_src>
import functools

import jax
import jax.numpy as jnp
from jax import lax
from jax.experimental import pallas as pl
from jax.experimental.pallas import tpu as pltpu
from jax.experimental.pallas import tpu_sc as plsc

N = 10000
E = 320000
D = 128

NC = 2
NS = 16
NW = NC * NS
EPW = E // NW
K = 80
NCHUNK = EPW // K
NBUF = 2
STRIPE = 640
LAST = N - (NS - 1) * STRIPE
VT = jnp.float32

_MESH = plsc.VectorSubcoreMesh(core_axis_name="c", subcore_axis_name="s")


def _seg_body(with_deg, *refs):
    if with_deg:
        (y_hbm, src_hbm, dst_hbm, z2_hbm, agg_hbm, deg_hbm,
         src_all, d0_v, d1_v, r0, r1, ones_v, degtmp_v,
         acc_sh, deg_sh,
         sg0, sg1, ss0, ss1, sl0, sl1, sd, si) = refs
    else:
        (y_hbm, src_hbm, dst_hbm, z2_hbm, agg_hbm,
         src_all, d0_v, d1_v, r0, r1,
         acc_sh,
         sg0, sg1, ss0, ss1, sl0, sl1, si) = refs
    rows = (r0, r1)
    dstb = (d0_v, d1_v)
    sg = (sg0, sg1)
    ss = (ss0, ss1)
    sl = (sl0, sl1)

    cid = lax.axis_index("c")
    sid = lax.axis_index("s")
    wid = sid * NC + cid
    roff = sid * STRIPE

    pltpu.async_copy(src_hbm.at[wid], src_all, si)
    pltpu.async_copy(dst_hbm.at[wid, 0], dstb[0], sl[0])

    @pl.when(sid < NS - 1)
    def _():
        pltpu.sync_copy(z2_hbm.at[pl.ds(roff, STRIPE)],
                        acc_sh.at[pl.ds(roff, STRIPE)])

    @pl.when(sid == NS - 1)
    def _():
        pltpu.sync_copy(z2_hbm.at[pl.ds(roff, LAST)],
                        acc_sh.at[pl.ds(roff, LAST)])

    if with_deg:
        for j in range(K // 16):
            ones_v[pl.ds(j * 16, 16)] = jnp.ones((16,), jnp.float32)
        for j in range(STRIPE // 16):
            degtmp_v[pl.ds(j * 16, 16)] = jnp.zeros((16,), jnp.float32)

        @pl.when(sid < NS - 1)
        def _():
            pltpu.sync_copy(degtmp_v, deg_sh.at[pl.ds(roff, STRIPE)])

        @pl.when(sid == NS - 1)
        def _():
            pltpu.sync_copy(degtmp_v.at[pl.ds(0, LAST)],
                            deg_sh.at[pl.ds(roff, LAST)])

    pltpu.make_async_copy(src_hbm.at[wid], src_all, si).wait()

    pltpu.async_copy(y_hbm.at[src_all.at[0]], rows[0], sg[0])

    plsc.subcore_barrier()

    def gwait(r):
        pltpu.make_async_copy(y_hbm.at[src_all.at[0]], rows[r], sg[r]).wait()

    def swait(r):
        pltpu.make_async_copy(rows[r], acc_sh.at[dstb[r]], ss[r]).wait()

    def lwait(r):
        pltpu.make_async_copy(dst_hbm.at[wid, 0], dstb[r], sl[r]).wait()

    def dwait():
        pltpu.make_async_copy(ones_v, deg_sh.at[dstb[0]], sd).wait()

    def chunk(a, r):
        rr = 1 - r

        @pl.when(a >= 1)
        def _():
            swait(rr)
            if with_deg:
                dwait()

        @pl.when(a + 1 < NCHUNK)
        def _():
            pltpu.async_copy(y_hbm.at[src_all.at[a + 1]], rows[rr], sg[rr])
            pltpu.async_copy(dst_hbm.at[wid, a + 1], dstb[rr], sl[rr])

        gwait(r)
        lwait(r)
        pltpu.async_copy(rows[r], acc_sh.at[dstb[r]], ss[r], add=True)
        if with_deg:
            pltpu.async_copy(ones_v, deg_sh.at[dstb[r]], sd, add=True)

    def body2(j, carry):
        a0 = j * NBUF
        for r in range(NBUF):
            chunk(a0 + r, r)
        return carry

    lax.fori_loop(0, NCHUNK // NBUF, body2, 0)
    chunk(NCHUNK - 1, (NCHUNK - 1) % NBUF)
    swait(0)
    if with_deg:
        dwait()

    plsc.subcore_barrier()

    @pl.when(sid < NS - 1)
    def _():
        pltpu.sync_copy(acc_sh.at[pl.ds(roff, STRIPE)],
                        agg_hbm.at[cid, pl.ds(roff, STRIPE)])
        if with_deg:
            pltpu.sync_copy(deg_sh.at[pl.ds(roff, STRIPE)], degtmp_v)
            pltpu.sync_copy(degtmp_v,
                            deg_hbm.at[pl.ds(cid * N + roff, STRIPE)])

    @pl.when(sid == NS - 1)
    def _():
        pltpu.sync_copy(acc_sh.at[pl.ds(roff, LAST)],
                        agg_hbm.at[cid, pl.ds(roff, LAST)])
        if with_deg:
            pltpu.sync_copy(deg_sh.at[pl.ds(roff, LAST)],
                            degtmp_v.at[pl.ds(0, LAST)])
            pltpu.sync_copy(degtmp_v.at[pl.ds(0, LAST)],
                            deg_hbm.at[pl.ds(cid * N + roff, LAST)])


_row_bufs = [pltpu.VMEM((K, D), VT)] * NBUF
_idx_bufs = [pltpu.VMEM((NCHUNK, K), jnp.int32),
             pltpu.VMEM((K,), jnp.int32),
             pltpu.VMEM((K,), jnp.int32)]
_sems = [pltpu.SemaphoreType.DMA] * (3 * NBUF)

_seg1 = pl.kernel(
    functools.partial(_seg_body, True),
    out_type=(jax.ShapeDtypeStruct((NC, N, D), VT),
              jax.ShapeDtypeStruct((NC * N,), jnp.float32)),
    mesh=_MESH,
    scratch_types=[
        *_idx_bufs,
        *_row_bufs,
        pltpu.VMEM((K,), jnp.float32),
        pltpu.VMEM((STRIPE,), jnp.float32),
        pltpu.VMEM_SHARED((N, D), VT),
        pltpu.VMEM_SHARED((N,), jnp.float32),
        *_sems,
        pltpu.SemaphoreType.DMA,
        pltpu.SemaphoreType.DMA,
    ],
)

_seg2 = pl.kernel(
    functools.partial(_seg_body, False),
    out_type=jax.ShapeDtypeStruct((NC, N, D), VT),
    mesh=_MESH,
    scratch_types=[
        *_idx_bufs,
        *_row_bufs,
        pltpu.VMEM_SHARED((N, D), VT),
        *_sems,
        pltpu.SemaphoreType.DMA,
    ],
)


BM = 1000
GRID = N // BM

_rowspec = pl.BlockSpec((BM, D), lambda i: (i, 0))
_wspec = pl.BlockSpec((D, D), lambda i: (0, 0))
_dspec = pl.BlockSpec((BM, 1), lambda i: (i, 0))
_bspec = pl.BlockSpec((1, D), lambda i: (0, 0))


def _mm_body(x_ref, w_ref, y_ref):
    y = jnp.dot(x_ref[...], w_ref[...], preferred_element_type=jnp.float32)
    y_ref[...] = y.astype(VT)


_mm = pl.pallas_call(
    _mm_body,
    grid=(GRID,),
    in_specs=[_rowspec, _wspec],
    out_specs=_rowspec,
    out_shape=jax.ShapeDtypeStruct((N, D), VT),
)


def _mid_body(x_ref, a0_ref, a1_ref, d0_ref, d1_ref, b_ref,
              ws_ref, wn_ref, y_ref, h_ref):
    deg = jnp.maximum(d0_ref[...] + d1_ref[...], 1.0)
    agg = a0_ref[...].astype(jnp.float32) + a1_ref[...].astype(jnp.float32)
    xs = jnp.dot(x_ref[...], ws_ref[...], preferred_element_type=jnp.float32)
    h = xs + agg / deg + b_ref[...]
    h = jnp.maximum(h, 0.0)
    y = jnp.dot(h, wn_ref[...], preferred_element_type=jnp.float32)
    y_ref[...] = y.astype(VT)
    h_ref[...] = h


_mid = pl.pallas_call(
    _mid_body,
    grid=(GRID,),
    in_specs=[_rowspec, _rowspec, _rowspec, _dspec, _dspec, _bspec,
              _wspec, _wspec],
    out_specs=[_rowspec, _rowspec],
    out_shape=[jax.ShapeDtypeStruct((N, D), VT),
               jax.ShapeDtypeStruct((N, D), jnp.float32)],
)


def _fin_body(h_ref, a0_ref, a1_ref, d0_ref, d1_ref, b_ref, ws_ref, o_ref):
    deg = jnp.maximum(d0_ref[...] + d1_ref[...], 1.0)
    agg = a0_ref[...].astype(jnp.float32) + a1_ref[...].astype(jnp.float32)
    hs = jnp.dot(h_ref[...], ws_ref[...], preferred_element_type=jnp.float32)
    o_ref[...] = hs + agg / deg + b_ref[...]


_fin = pl.pallas_call(
    _fin_body,
    grid=(GRID,),
    in_specs=[_rowspec, _rowspec, _rowspec, _dspec, _dspec, _bspec, _wspec],
    out_specs=_rowspec,
    out_shape=jax.ShapeDtypeStruct((N, D), jnp.float32),
)


def kernel(features, edge_index, W1_self, W1_neigh, b1, W2_self, W2_neigh, b2):
    src3 = edge_index[0].reshape(NW, NCHUNK, K)
    dst3 = edge_index[1].reshape(NW, NCHUNK, K)
    z2 = jnp.zeros((N, D), VT)

    y1 = _mm(features, W1_neigh)
    aggp1, degp = _seg1(y1, src3, dst3, z2)
    degp = degp.reshape(NC, N)
    d0 = degp[0][:, None]
    d1 = degp[1][:, None]
    y2, h1 = _mid(features, aggp1[0], aggp1[1], d0, d1, b1[None, :],
                  W1_self, W2_neigh)
    aggp2 = _seg2(y2, src3, dst3, z2)
    return _fin(h1, aggp2[0], aggp2[1], d0, d1, b2[None, :], W2_self)

# --- scband reference (transcript-rebuilt; emitter-appended) ---
"""Pipeline reference for scband-graph-sage-1915555414426 (READ-ONLY COPY).

The authoritative reference and input builder live on the scoring server;
editing this copy changes nothing except your own understanding.
"""

import jax, jax.numpy as jnp
import numpy as np

N = 10000
E = 320000
D_IN = 128
D_HID = 128
D_OUT = 128


def setup_inputs(seed: int = 0) -> dict:
    key = jax.random.key(seed)
    ks = jax.random.split(key, 8)
    features = jax.random.normal(ks[0], (N, D_IN), dtype=jnp.float32)
    edge_index = jax.random.randint(ks[1], (2, E), 0, N, dtype=jnp.int32)
    W1_self = jax.random.normal(ks[2], (D_IN, D_HID), dtype=jnp.float32) * 0.05
    W1_neigh = jax.random.normal(ks[3], (D_IN, D_HID), dtype=jnp.float32) * 0.05
    b1 = jnp.zeros((D_HID,), dtype=jnp.float32)
    W2_self = jax.random.normal(ks[4], (D_HID, D_OUT), dtype=jnp.float32) * 0.05
    W2_neigh = jax.random.normal(ks[5], (D_HID, D_OUT), dtype=jnp.float32) * 0.05
    b2 = jnp.zeros((D_OUT,), dtype=jnp.float32)
    return {
        "features": features,
        "edge_index": edge_index,
        "W1_self": W1_self,
        "W1_neigh": W1_neigh,
        "b1": b1,
        "W2_self": W2_self,
        "W2_neigh": W2_neigh,
        "b2": b2,
    }


def _sage_conv_mean(x, src, dst, W_self, W_neigh, b, n_nodes):
    # DGL SAGEConv with aggregator_type='mean':
    #   h_neigh = mean_{u in N(v)} x_u ; rst = fc_self(x_v) + fc_neigh(h_neigh) + bias
    msg = jnp.take(x, src, axis=0)                      # gather src features per edge
    agg = jax.ops.segment_sum(msg, dst, num_segments=n_nodes)
    deg = jax.ops.segment_sum(jnp.ones((src.shape[0],), dtype=x.dtype), dst, num_segments=n_nodes)
    deg = jnp.clip(deg, 1.0, None)
    h_neigh = agg / deg[:, None]
    return x @ W_self + h_neigh @ W_neigh + b


def reference(features, edge_index, W1_self, W1_neigh, b1, W2_self, W2_neigh, b2):
    src = edge_index[0]
    dst = edge_index[1]
    h = _sage_conv_mean(features, src, dst, W1_self, W1_neigh, b1, N)
    h = jax.nn.relu(h)
    h = _sage_conv_mean(h, src, dst, W2_self, W2_neigh, b2, N)
    return h

if __name__ == "__main__":
    import jax
    _d = setup_inputs()
    print(jax.jit(kernel)(*tuple(_d.values())))

</pallas_src>

<mosaic_0001>
#map = affine_map<(d0, d1) -> (0, 0)>
#map1 = affine_map<(d0, d1) -> (0, 0, 0)>
module attributes {stable_mosaic.version = 14 : i64} {
  func.func @_seg_body(%arg0: i32, %arg1: i32, %arg2: memref<10000x128xf32, #tpu.memory_space<hbm>>, %arg3: memref<32x125x80xi32, #tpu.memory_space<hbm>>, %arg4: memref<32x125x80xi32, #tpu.memory_space<hbm>>, %arg5: memref<10000x128xf32, #tpu.memory_space<hbm>>, %arg6: memref<2x10000x128xf32, #tpu.memory_space<hbm>>, %arg7: memref<125x80xi32, #tpu.memory_space<vmem>>, %arg8: memref<80xi32, #tpu.memory_space<vmem>>, %arg9: memref<80xi32, #tpu.memory_space<vmem>>, %arg10: memref<80x128xf32, #tpu.memory_space<vmem>>, %arg11: memref<80x128xf32, #tpu.memory_space<vmem>>, %arg12: memref<10000x128xf32, #tpu.memory_space<vmem_shared>>, %arg13: memref<!tpu.dma_semaphore, #tpu.memory_space<semaphore_mem>>, %arg14: memref<!tpu.dma_semaphore, #tpu.memory_space<semaphore_mem>>, %arg15: memref<!tpu.dma_semaphore, #tpu.memory_space<semaphore_mem>>, %arg16: memref<!tpu.dma_semaphore, #tpu.memory_space<semaphore_mem>>, %arg17: memref<!tpu.dma_semaphore, #tpu.memory_space<semaphore_mem>>, %arg18: memref<!tpu.dma_semaphore, #tpu.memory_space<semaphore_mem>>, %arg19: memref<!tpu.dma_semaphore, #tpu.memory_space<semaphore_mem>>) attributes {dimension_semantics = [#tpu.dimension_semantics<core_parallel>, #tpu.dimension_semantics<subcore_parallel>], iteration_bounds = array<i64: 2, 16>, scalar_prefetch = 0 : i64, scratch_operands = 13 : i64, tpu.core_type = #tpu.core_type<sc_vector_subcore>, window_params = [{transform_indices = #map}, {transform_indices = #map1}, {transform_indices = #map1}, {transform_indices = #map}, {transform_indices = #map1}]} {
    %mul3A = arith.constant 2 : i32
    %mul3A_0 = arith.muli %arg1, %mul3A : i32
    %add3A = arith.addi %mul3A_0, %arg0 : i32
    %mul3A_1 = arith.constant 640 : i32
    %mul3A_2 = arith.muli %arg1, %mul3A_1 : i32
    %dma_start3A = arith.constant 0 : i32
    %dma_start3A_3 = arith.constant 0 : i32
    %dma_start3A_4 = tpu.memref_slice %arg3[%add3A, %dma_start3A, %dma_start3A_3] : memref<32x125x80xi32, #tpu.memory_space<hbm>> -> memref<1x125x80xi32, #tpu.memory_space<hbm>>
    %dma_start3A_5 = tpu.memref_squeeze %dma_start3A_4 : memref<1x125x80xi32, #tpu.memory_space<hbm>> -> memref<125x80xi32, #tpu.memory_space<hbm>>
    %dma_start3A_6 = arith.constant 0 : i32
    %dma_start3A_7 = arith.constant 0 : i32
    %dma_start3A_8 = tpu.memref_slice %arg3[%add3A, %dma_start3A_6, %dma_start3A_7] : memref<32x125x80xi32, #tpu.memory_space<hbm>> -> memref<1x125x80xi32, #tpu.memory_space<hbm>>
    %dma_start3A_9 = tpu.memref_squeeze %dma_start3A_8 : memref<1x125x80xi32, #tpu.memory_space<hbm>> -> memref<125x80xi32, #tpu.memory_space<hbm>>
    tpu.enqueue_dma source(%dma_start3A_9 : memref<125x80xi32, #tpu.memory_space<hbm>>) target(%arg7 : memref<125x80xi32, #tpu.memory_space<vmem>>) target_semaphore(%arg19 : memref<!tpu.dma_semaphore, #tpu.memory_space<semaphore_mem>>)
    %dma_start3A_10 = arith.constant 0 : i32
    %dma_start3A_11 = arith.constant 0 : i32
    %dma_start3A_12 = tpu.memref_slice %arg4[%add3A, %dma_start3A_10, %dma_start3A_11] : memref<32x125x80xi32, #tpu.memory_space<hbm>> -> memref<1x1x80xi32, #tpu.memory_space<hbm>>
    %dma_start3A_13 = tpu.memref_squeeze %dma_start3A_12 : memref<1x1x80xi32, #tpu.memory_space<hbm>> -> memref<80xi32, #tpu.memory_space<hbm>>
    %dma_start3A_14 = arith.constant 0 : i32
    %dma_start3A_15 = tpu.memref_slice %arg4[%add3A, %dma_start3A_10, %dma_start3A_14] : memref<32x125x80xi32, #tpu.memory_space<hbm>> -> memref<1x1x80xi32, #tpu.memory_space<hbm>>
    %dma_start3A_16 = tpu.memref_squeeze %dma_start3A_15 : memref<1x1x80xi32, #tpu.memory_space<hbm>> -> memref<80xi32, #tpu.memory_space<hbm>>
    tpu.enqueue_dma source(%dma_start3A_16 : memref<80xi32, #tpu.memory_space<hbm>>) target(%arg8 : memref<80xi32, #tpu.memory_space<vmem>>) target_semaphore(%arg17 : memref<!tpu.dma_semaphore, #tpu.memory_space<semaphore_mem>>)
    %lt3A = arith.constant 15 : i32
    %lt3A_17 = arith.cmpi slt, %arg1, %lt3A : i32
    %convert_element_type3A = arith.extui %lt3A_17 : i1 to i32
    %cond3A = arith.constant 0 : i32
    %cond3A_18 = arith.cmpi ne, %convert_element_type3A, %cond3A : i32
    scf.if %cond3A_18 {
      "tpu.region"() ({
        %run_scoped3A = tpu.sem_alloc : memref<!tpu.dma_semaphore, #tpu.memory_space<semaphore_mem>>
        %dma_start3A_76 = arith.constant 0 : i32
        %dma_start3A_77 = tpu.memref_slice %arg12[%mul3A_2, %dma_start3A_76] : memref<10000x128xf32, #tpu.memory_space<vmem_shared>> -> memref<640x128xf32, #tpu.memory_space<vmem_shared>>
        %dma_start3A_78 = arith.constant 0 : i32
        %dma_start3A_79 = tpu.memref_slice %arg5[%mul3A_2, %dma_start3A_78] : memref<10000x128xf32, #tpu.memory_space<hbm>> -> memref<640x128xf32, #tpu.memory_space<hbm>>
        tpu.enqueue_dma source(%dma_start3A_79 : memref<640x128xf32, #tpu.memory_space<hbm>>) target(%dma_start3A_77 : memref<640x128xf32, #tpu.memory_space<vmem_shared>>) target_semaphore(%run_scoped3A : memref<!tpu.dma_semaphore, #tpu.memory_space<semaphore_mem>>)
        %dma_wait3A_80 = arith.constant 0 : i32
        %dma_wait3A_81 = tpu.memref_slice %arg12[%mul3A_2, %dma_wait3A_80] : memref<10000x128xf32, #tpu.memory_space<vmem_shared>> -> memref<640x128xf32, #tpu.memory_space<vmem_shared>>
        %dma_wait3A_82 = arith.constant 0 : i32
        %dma_wait3A_83 = tpu.memref_slice %arg5[%mul3A_2, %dma_wait3A_82] : memref<10000x128xf32, #tpu.memory_space<hbm>> -> memref<640x128xf32, #tpu.memory_space<hbm>>
        tpu.wait_dma2 semaphore(%run_scoped3A : memref<!tpu.dma_semaphore, #tpu.memory_space<semaphore_mem>>) src(%dma_wait3A_83 : memref<640x128xf32, #tpu.memory_space<hbm>>) dst(%dma_wait3A_81 : memref<640x128xf32, #tpu.memory_space<vmem_shared>>)
        tpu.yield
      }) : () -> ()
    } else {
    }
    %eq3A = arith.constant 15 : i32
    %eq3A_19 = arith.cmpi eq, %arg1, %eq3A : i32
    %convert_element_type3A_20 = arith.extui %eq3A_19 : i1 to i32
    %cond3A_21 = arith.constant 0 : i32
    %cond3A_22 = arith.cmpi ne, %convert_element_type3A_20, %cond3A_21 : i32
    scf.if %cond3A_22 {
      "tpu.region"() ({
        %run_scoped3A = tpu.sem_alloc : memref<!tpu.dma_semaphore, #tpu.memory_space<semaphore_mem>>
        %dma_start3A_76 = arith.constant 0 : i32
        %dma_start3A_77 = tpu.memref_slice %arg12[%mul3A_2, %dma_start3A_76] : memref<10000x128xf32, #tpu.memory_space<vmem_shared>> -> memref<400x128xf32, #tpu.memory_space<vmem_shared>>
        %dma_start3A_78 = arith.constant 0 : i32
        %dma_start3A_79 = tpu.memref_slice %arg5[%mul3A_2, %dma_start3A_78] : memref<10000x128xf32, #tpu.memory_space<hbm>> -> memref<400x128xf32, #tpu.memory_space<hbm>>
        tpu.enqueue_dma source(%dma_start3A_79 : memref<400x128xf32, #tpu.memory_space<hbm>>) target(%dma_start3A_77 : memref<400x128xf32, #tpu.memory_space<vmem_shared>>) target_semaphore(%run_scoped3A : memref<!tpu.dma_semaphore, #tpu.memory_space<semaphore_mem>>)
        %dma_wait3A_80 = arith.constant 0 : i32
        %dma_wait3A_81 = tpu.memref_slice %arg12[%mul3A_2, %dma_wait3A_80] : memref<10000x128xf32, #tpu.memory_space<vmem_shared>> -> memref<400x128xf32, #tpu.memory_space<vmem_shared>>
        %dma_wait3A_82 = arith.constant 0 : i32
        %dma_wait3A_83 = tpu.memref_slice %arg5[%mul3A_2, %dma_wait3A_82] : memref<10000x128xf32, #tpu.memory_space<hbm>> -> memref<400x128xf32, #tpu.memory_space<hbm>>
        tpu.wait_dma2 semaphore(%run_scoped3A : memref<!tpu.dma_semaphore, #tpu.memory_space<semaphore_mem>>) src(%dma_wait3A_83 : memref<400x128xf32, #tpu.memory_space<hbm>>) dst(%dma_wait3A_81 : memref<400x128xf32, #tpu.memory_space<vmem_shared>>)
        tpu.yield
      }) : () -> ()
    } else {
    }
    %dma_wait3A = arith.constant 0 : i32
    %dma_wait3A_23 = arith.constant 0 : i32
    %dma_wait3A_24 = tpu.memref_slice %arg3[%add3A, %dma_wait3A, %dma_wait3A_23] : memref<32x125x80xi32, #tpu.memory_space<hbm>> -> memref<1x125x80xi32, #tpu.memory_space<hbm>>
    %dma_wait3A_25 = tpu.memref_squeeze %dma_wait3A_24 : memref<1x125x80xi32, #tpu.memory_space<hbm>> -> memref<125x80xi32, #tpu.memory_space<hbm>>
    %dma_wait3A_26 = arith.constant 0 : i32
    %dma_wait3A_27 = arith.constant 0 : i32
    %dma_wait3A_28 = tpu.memref_slice %arg3[%add3A, %dma_wait3A_26, %dma_wait3A_27] : memref<32x125x80xi32, #tpu.memory_space<hbm>> -> memref<1x125x80xi32, #tpu.memory_space<hbm>>
    %dma_wait3A_29 = tpu.memref_squeeze %dma_wait3A_28 : memref<1x125x80xi32, #tpu.memory_space<hbm>> -> memref<125x80xi32, #tpu.memory_space<hbm>>
    tpu.wait_dma2 semaphore(%arg19 : memref<!tpu.dma_semaphore, #tpu.memory_space<semaphore_mem>>) src(%dma_wait3A_29 : memref<125x80xi32, #tpu.memory_space<hbm>>) dst(%arg7 : memref<125x80xi32, #tpu.memory_space<vmem>>)
    %dma_start3A_30 = arith.constant 0 : i32
    %dma_start3A_31 = arith.constant 0 : i32
    %dma_start3A_32 = tpu.memref_slice %arg7[%dma_start3A_30, %dma_start3A_31] : memref<125x80xi32, #tpu.memory_space<vmem>> -> memref<1x80xi32, #tpu.memory_space<vmem>>
    %dma_start3A_33 = tpu.memref_squeeze %dma_start3A_32 : memref<1x80xi32, #tpu.memory_space<vmem>> -> memref<80xi32, #tpu.memory_space<vmem>>
    %dma_start3A_34 = arith.constant 0 : i32
    %dma_start3A_35 = arith.constant 0 : i32
    %dma_start3A_36 = tpu.memref_slice %arg2[%dma_start3A_34, %dma_start3A_35] : memref<10000x128xf32, #tpu.memory_space<hbm>> -> memref<10000x128xf32, #tpu.memory_space<hbm>>
    tpu.enqueue_indirect_dma source(%dma_start3A_36 : memref<10000x128xf32, #tpu.memory_space<hbm>>) target(%arg10 : memref<80x128xf32, #tpu.memory_space<vmem>>) offsets(%dma_start3A_33 : memref<80xi32, #tpu.memory_space<vmem>>) semaphore(%arg13 : memref<!tpu.dma_semaphore, #tpu.memory_space<semaphore_mem>>)
    %barrier3A = arith.constant 0 : index
    tpu.barrier barrier_id(%barrier3A)
    %scan3A = arith.constant 0 : i32
    %scan3A_37 = arith.constant 0 : i32
    %scan3A_38 = arith.constant 62 : i32
    %scan3A_39 = arith.addi %scan3A_37, %scan3A_38 : i32
    %scan3A_40 = arith.constant 1 : i32
    scf.for %scan3A_76 = %scan3A_37 to %scan3A_39 step %scan3A_40  : i32 {
      %mul3A_77 = arith.constant 2 : i32
      %mul3A_78 = arith.muli %scan3A_76, %mul3A_77 : i32
      %add3A_79 = arith.constant 0 : i32
      %add3A_80 = arith.addi %mul3A_78, %add3A_79 : i32
      %ge3A = arith.constant 1 : i32
      %ge3A_81 = arith.cmpi sge, %add3A_80, %ge3A : i32
      %convert_element_type3A_82 = arith.extui %ge3A_81 : i1 to i32
      %cond3A_83 = arith.constant 0 : i32
      %cond3A_84 = arith.cmpi ne, %convert_element_type3A_82, %cond3A_83 : i32
      scf.if %cond3A_84 {
        %dma_wait3A_140 = arith.constant 0 : i32
        %dma_wait3A_141 = arith.constant 0 : i32
        %dma_wait3A_142 = tpu.memref_slice %arg12[%dma_wait3A_140, %dma_wait3A_141] : memref<10000x128xf32, #tpu.memory_space<vmem_shared>> -> memref<10000x128xf32, #tpu.memory_space<vmem_shared>>
        tpu.wait_indirect_dma semaphore(%arg16 : memref<!tpu.dma_semaphore, #tpu.memory_space<semaphore_mem>>) src(%arg11 : memref<80x128xf32, #tpu.memory_space<vmem>>) dst(%dma_wait3A_142 : memref<10000x128xf32, #tpu.memory_space<vmem_shared>>)
      } else {
      }
      %add3A_85 = arith.constant 1 : i32
      %add3A_86 = arith.addi %add3A_80, %add3A_85 : i32
      %lt3A_87 = arith.constant 125 : i32
      %lt3A_88 = arith.cmpi slt, %add3A_86, %lt3A_87 : i32
      %convert_element_type3A_89 = arith.extui %lt3A_88 : i1 to i32
      %cond3A_90 = arith.constant 0 : i32
      %cond3A_91 = arith.cmpi ne, %convert_element_type3A_89, %cond3A_90 : i32
      scf.if %cond3A_91 {
        %add3A_140 = arith.constant 1 : i32
        %add3A_141 = arith.addi %add3A_80, %add3A_140 : i32
        %dma_start3A_142 = arith.constant 0 : i32
        %dma_start3A_143 = tpu.memref_slice %arg7[%add3A_141, %dma_start3A_142] : memref<125x80xi32, #tpu.memory_space<vmem>> -> memref<1x80xi32, #tpu.memory_space<vmem>>
        %dma_start3A_144 = tpu.memref_squeeze %dma_start3A_143 : memref<1x80xi32, #tpu.memory_space<vmem>> -> memref<80xi32, #tpu.memory_space<vmem>>
        %dma_start3A_145 = arith.constant 0 : i32
        %dma_start3A_146 = arith.constant 0 : i32
        %dma_start3A_147 = tpu.memref_slice %arg2[%dma_start3A_145, %dma_start3A_146] : memref<10000x128xf32, #tpu.memory_space<hbm>> -> memref<10000x128xf32, #tpu.memory_space<hbm>>
        tpu.enqueue_indirect_dma source(%dma_start3A_147 : memref<10000x128xf32, #tpu.memory_space<hbm>>) target(%arg11 : memref<80x128xf32, #tpu.memory_space<vmem>>) offsets(%dma_start3A_144 : memref<80xi32, #tpu.memory_space<vmem>>) semaphore(%arg14 : memref<!tpu.dma_semaphore, #tpu.memory_space<semaphore_mem>>)
        %add3A_148 = arith.constant 1 : i32
        %add3A_149 = arith.addi %add3A_80, %add3A_148 : i32
        %dma_start3A_150 = arith.constant 0 : i32
        %dma_start3A_151 = tpu.memref_slice %arg4[%add3A, %add3A_149, %dma_start3A_150] : memref<32x125x80xi32, #tpu.memory_space<hbm>> -> memref<1x1x80xi32, #tpu.memory_space<hbm>>
        %dma_start3A_152 = tpu.memref_squeeze %dma_start3A_151 : memref<1x1x80xi32, #tpu.memory_space<hbm>> -> memref<80xi32, #tpu.memory_space<hbm>>
        %dma_start3A_153 = arith.constant 0 : i32
        %dma_start3A_154 = tpu.memref_slice %arg4[%add3A, %add3A_149, %dma_start3A_153] : memref<32x125x80xi32, #tpu.memory_space<hbm>> -> memref<1x1x80xi32, #tpu.memory_space<hbm>>
        %dma_start3A_155 = tpu.memref_squeeze %dma_start3A_154 : memref<1x1x80xi32, #tpu.memory_space<hbm>> -> memref<80xi32, #tpu.memory_space<hbm>>
        tpu.enqueue_dma source(%dma_start3A_155 : memref<80xi32, #tpu.memory_space<hbm>>) target(%arg9 : memref<80xi32, #tpu.memory_space<vmem>>) target_semaphore(%arg18 : memref<!tpu.dma_semaphore, #tpu.memory_space<semaphore_mem>>)
      } else {
      }
      %dma_wait3A_92 = arith.constant 0 : i32
      %dma_wait3A_93 = arith.constant 0 : i32
      %dma_wait3A_94 = tpu.memref_slice %arg7[%dma_wait3A_92, %dma_wait3A_93] : memref<125x80xi32, #tpu.memory_space<vmem>> -> memref<1x80xi32, #tpu.memory_space<vmem>>
      %dma_wait3A_95 = tpu.memref_squeeze %dma_wait3A_94 : memref<1x80xi32, #tpu.memory_space<vmem>> -> memref<80xi32, #tpu.memory_space<vmem>>
      %dma_wait3A_96 = arith.constant 0 : i32
      %dma_wait3A_97 = arith.constant 0 : i32
      %dma_wait3A_98 = tpu.memref_slice %arg2[%dma_wait3A_96, %dma_wait3A_97] : memref<10000x128xf32, #tpu.memory_space<hbm>> -> memref<10000x128xf32, #tpu.memory_space<hbm>>
      tpu.wait_indirect_dma semaphore(%arg13 : memref<!tpu.dma_semaphore, #tpu.memory_space<semaphore_mem>>) src(%dma_wait3A_98 : memref<10000x128xf32, #tpu.memory_space<hbm>>) dst(%arg10 : memref<80x128xf32, #tpu.memory_space<vmem>>)
      %dma_wait3A_99 = arith.constant 0 : i32
      %dma_wait3A_100 = arith.constant 0 : i32
      %dma_wait3A_101 = tpu.memref_slice %arg4[%add3A, %dma_wait3A_99, %dma_wait3A_100] : memref<32x125x80xi32, #tpu.memory_space<hbm>> -> memref<1x1x80xi32, #tpu.memory_space<hbm>>
      %dma_wait3A_102 = tpu.memref_squeeze %dma_wait3A_101 : memref<1x1x80xi32, #tpu.memory_space<hbm>> -> memref<80xi32, #tpu.memory_space<hbm>>
      %dma_wait3A_103 = arith.constant 0 : i32
      %dma_wait3A_104 = tpu.memref_slice %arg4[%add3A, %dma_wait3A_99, %dma_wait3A_103] : memref<32x125x80xi32, #tpu.memory_space<hbm>> -> memref<1x1x80xi32, #tpu.memory_space<hbm>>
      %dma_wait3A_105 = tpu.memref_squeeze %dma_wait3A_104 : memref<1x1x80xi32, #tpu.memory_space<hbm>> -> memref<80xi32, #tpu.memory_space<hbm>>
      tpu.wait_dma2 semaphore(%arg17 : memref<!tpu.dma_semaphore, #tpu.memory_space<semaphore_mem>>) src(%dma_wait3A_105 : memref<80xi32, #tpu.memory_space<hbm>>) dst(%arg8 : memref<80xi32, #tpu.memory_space<vmem>>)
      %dma_start3A_106 = arith.constant 0 : i32
      %dma_start3A_107 = arith.constant 0 : i32
      %dma_start3A_108 = tpu.memref_slice %arg12[%dma_start3A_106, %dma_start3A_107] : memref<10000x128xf32, #tpu.memory_space<vmem_shared>> -> memref<10000x128xf32, #tpu.memory_space<vmem_shared>>
      tpu.enqueue_indirect_dma source(%arg10 : memref<80x128xf32, #tpu.memory_space<vmem>>) target(%dma_start3A_108 : memref<10000x128xf32, #tpu.memory_space<vmem_shared>>) offsets(%arg8 : memref<80xi32, #tpu.memory_space<vmem>>) semaphore(%arg15 : memref<!tpu.dma_semaphore, #tpu.memory_space<semaphore_mem>>) {add = true}
      %add3A_109 = arith.constant 1 : i32
      %add3A_110 = arith.addi %mul3A_78, %add3A_109 : i32
      %ge3A_111 = arith.constant 1 : i32
      %ge3A_112 = arith.cmpi sge, %add3A_110, %ge3A_111 : i32
      %convert_element_type3A_113 = arith.extui %ge3A_112 : i1 to i32
      %cond3A_114 = arith.constant 0 : i32
      %cond3A_115 = arith.cmpi ne, %convert_element_type3A_113, %cond3A_114 : i32
      scf.if %cond3A_115 {
        %dma_wait3A_140 = arith.constant 0 : i32
        %dma_wait3A_141 = arith.constant 0 : i32
        %dma_wait3A_142 = tpu.memref_slice %arg12[%dma_wait3A_140, %dma_wait3A_141] : memref<10000x128xf32, #tpu.memory_space<vmem_shared>> -> memref<10000x128xf32, #tpu.memory_space<vmem_shared>>
        tpu.wait_indirect_dma semaphore(%arg15 : memref<!tpu.dma_semaphore, #tpu.memory_space<semaphore_mem>>) src(%arg10 : memref<80x128xf32, #tpu.memory_space<vmem>>) dst(%dma_wait3A_142 : memref<10000x128xf32, #tpu.memory_space<vmem_shared>>)
      } else {
      }
      %add3A_116 = arith.constant 1 : i32
      %add3A_117 = arith.addi %add3A_110, %add3A_116 : i32
      %lt3A_118 = arith.constant 125 : i32
      %lt3A_119 = arith.cmpi slt, %add3A_117, %lt3A_118 : i32
      %convert_element_type3A_120 = arith.extui %lt3A_119 : i1 to i32
      %cond3A_121 = arith.constant 0 : i32
      %cond3A_122 = arith.cmpi ne, %convert_element_type3A_120, %cond3A_121 : i32
      scf.if %cond3A_122 {
        %add3A_140 = arith.constant 1 : i32
        %add3A_141 = arith.addi %add3A_110, %add3A_140 : i32
        %dma_start3A_142 = arith.constant 0 : i32
        %dma_start3A_143 = tpu.memref_slice %arg7[%add3A_141, %dma_start3A_142] : memref<125x80xi32, #tpu.memory_space<vmem>> -> memref<1x80xi32, #tpu.memory_space<vmem>>
        %dma_start3A_144 = tpu.memref_squeeze %dma_start3A_143 : memref<1x80xi32, #tpu.memory_space<vmem>> -> memref<80xi32, #tpu.memory_space<vmem>>
        %dma_start3A_145 = arith.constant 0 : i32
        %dma_start3A_146 = arith.constant 0 : i32
        %dma_start3A_147 = tpu.memref_slice %arg2[%dma_start3A_145, %dma_start3A_146] : memref<10000x128xf32, #tpu.memory_space<hbm>> -> memref<10000x128xf32, #tpu.memory_space<hbm>>
        tpu.enqueue_indirect_dma source(%dma_start3A_147 : memref<10000x128xf32, #tpu.memory_space<hbm>>) target(%arg10 : memref<80x128xf32, #tpu.memory_space<vmem>>) offsets(%dma_start3A_144 : memref<80xi32, #tpu.memory_space<vmem>>) semaphore(%arg13 : memref<!tpu.dma_semaphore, #tpu.memory_space<semaphore_mem>>)
        %add3A_148 = arith.constant 1 : i32
        %add3A_149 = arith.addi %add3A_110, %add3A_148 : i32
        %dma_start3A_150 = arith.constant 0 : i32
        %dma_start3A_151 = tpu.memref_slice %arg4[%add3A, %add3A_149, %dma_start3A_150] : memref<32x125x80xi32, #tpu.memory_space<hbm>> -> memref<1x1x80xi32, #tpu.memory_space<hbm>>
        %dma_start3A_152 = tpu.memref_squeeze %dma_start3A_151 : memref<1x1x80xi32, #tpu.memory_space<hbm>> -> memref<80xi32, #tpu.memory_space<hbm>>
        %dma_start3A_153 = arith.constant 0 : i32
        %dma_start3A_154 = tpu.memref_slice %arg4[%add3A, %add3A_149, %dma_start3A_153] : memref<32x125x80xi32, #tpu.memory_space<hbm>> -> memref<1x1x80xi32, #tpu.memory_space<hbm>>
        %dma_start3A_155 = tpu.memref_squeeze %dma_start3A_154 : memref<1x1x80xi32, #tpu.memory_space<hbm>> -> memref<80xi32, #tpu.memory_space<hbm>>
        tpu.enqueue_dma source(%dma_start3A_155 : memref<80xi32, #tpu.memory_space<hbm>>) target(%arg8 : memref<80xi32, #tpu.memory_space<vmem>>) target_semaphore(%arg17 : memref<!tpu.dma_semaphore, #tpu.memory_space<semaphore_mem>>)
      } else {
      }
      %dma_wait3A_123 = arith.constant 0 : i32
      %dma_wait3A_124 = arith.constant 0 : i32
      %dma_wait3A_125 = tpu.memref_slice %arg7[%dma_wait3A_123, %dma_wait3A_124] : memref<125x80xi32, #tpu.memory_space<vmem>> -> memref<1x80xi32, #tpu.memory_space<vmem>>
      %dma_wait3A_126 = tpu.memref_squeeze %dma_wait3A_125 : memref<1x80xi32, #tpu.memory_space<vmem>> -> memref<80xi32, #tpu.memory_space<vmem>>
      %dma_wait3A_127 = arith.constant 0 : i32
      %dma_wait3A_128 = arith.constant 0 : i32
      %dma_wait3A_129 = tpu.memref_slice %arg2[%dma_wait3A_127, %dma_wait3A_128] : memref<10000x128xf32, #tpu.memory_space<hbm>> -> memref<10000x128xf32, #tpu.memory_space<hbm>>
      tpu.wait_indirect_dma semaphore(%arg14 : memref<!tpu.dma_semaphore, #tpu.memory_space<semaphore_mem>>) src(%dma_wait3A_129 : memref<10000x128xf32, #tpu.memory_space<hbm>>) dst(%arg11 : memref<80x128xf32, #tpu.memory_space<vmem>>)
      %dma_wait3A_130 = arith.constant 0 : i32
      %dma_wait3A_131 = arith.constant 0 : i32
      %dma_wait3A_132 = tpu.memref_slice %arg4[%add3A, %dma_wait3A_130, %dma_wait3A_131] : memref<32x125x80xi32, #tpu.memory_space<hbm>> -> memref<1x1x80xi32, #tpu.memory_space<hbm>>
      %dma_wait3A_133 = tpu.memref_squeeze %dma_wait3A_132 : memref<1x1x80xi32, #tpu.memory_space<hbm>> -> memref<80xi32, #tpu.memory_space<hbm>>
      %dma_wait3A_134 = arith.constant 0 : i32
      %dma_wait3A_135 = tpu.memref_slice %arg4[%add3A, %dma_wait3A_130, %dma_wait3A_134] : memref<32x125x80xi32, #tpu.memory_space<hbm>> -> memref<1x1x80xi32, #tpu.memory_space<hbm>>
      %dma_wait3A_136 = tpu.memref_squeeze %dma_wait3A_135 : memref<1x1x80xi32, #tpu.memory_space<hbm>> -> memref<80xi32, #tpu.memory_space<hbm>>
      tpu.wait_dma2 semaphore(%arg18 : memref<!tpu.dma_semaphore, #tpu.memory_space<semaphore_mem>>) src(%dma_wait3A_136 : memref<80xi32, #tpu.memory_space<hbm>>) dst(%arg9 : memref<80xi32, #tpu.memory_space<vmem>>)
      %dma_start3A_137 = arith.constant 0 : i32
      %dma_start3A_138 = arith.constant 0 : i32
      %dma_start3A_139 = tpu.memref_slice %arg12[%dma_start3A_137, %dma_start3A_138] : memref<10000x128xf32, #tpu.memory_space<vmem_shared>> -> memref<10000x128xf32, #tpu.memory_space<vmem_shared>>
      tpu.enqueue_indirect_dma source(%arg11 : memref<80x128xf32, #tpu.memory_space<vmem>>) target(%dma_start3A_139 : memref<10000x128xf32, #tpu.memory_space<vmem_shared>>) offsets(%arg9 : memref<80xi32, #tpu.memory_space<vmem>>) semaphore(%arg16 : memref<!tpu.dma_semaphore, #tpu.memory_space<semaphore_mem>>) {add = true}
    }
    %scan3A_41 = arith.constant 62 : i32
    %dma_wait3A_42 = arith.constant 0 : i32
    %dma_wait3A_43 = arith.constant 0 : i32
    %dma_wait3A_44 = tpu.memref_slice %arg12[%dma_wait3A_42, %dma_wait3A_43] : memref<10000x128xf32, #tpu.memory_space<vmem_shared>> -> memref<10000x128xf32, #tpu.memory_space<vmem_shared>>
    tpu.wait_indirect_dma semaphore(%arg16 : memref<!tpu.dma_semaphore, #tpu.memory_space<semaphore_mem>>) src(%arg11 : memref<80x128xf32, #tpu.memory_space<vmem>>) dst(%dma_wait3A_44 : memref<10000x128xf32, #tpu.memory_space<vmem_shared>>)
    %dma_wait3A_45 = arith.constant 0 : i32
    %dma_wait3A_46 = arith.constant 0 : i32
    %dma_wait3A_47 = tpu.memref_slice %arg7[%dma_wait3A_45, %dma_wait3A_46] : memref<125x80xi32, #tpu.memory_space<vmem>> -> memref<1x80xi32, #tpu.memory_space<vmem>>
    %dma_wait3A_48 = tpu.memref_squeeze %dma_wait3A_47 : memref<1x80xi32, #tpu.memory_space<vmem>> -> memref<80xi32, #tpu.memory_space<vmem>>
    %dma_wait3A_49 = arith.constant 0 : i32
    %dma_wait3A_50 = arith.constant 0 : i32
    %dma_wait3A_51 = tpu.memref_slice %arg2[%dma_wait3A_49, %dma_wait3A_50] : memref<10000x128xf32, #tpu.memory_space<hbm>> -> memref<10000x128xf32, #tpu.memory_space<hbm>>
    tpu.wait_indirect_dma semaphore(%arg13 : memref<!tpu.dma_semaphore, #tpu.memory_space<semaphore_mem>>) src(%dma_wait3A_51 : memref<10000x128xf32, #tpu.memory_space<hbm>>) dst(%arg10 : memref<80x128xf32, #tpu.memory_space<vmem>>)
    %dma_wait3A_52 = arith.constant 0 : i32
    %dma_wait3A_53 = arith.constant 0 : i32
    %dma_wait3A_54 = tpu.memref_slice %arg4[%add3A, %dma_wait3A_52, %dma_wait3A_53] : memref<32x125x80xi32, #tpu.memory_space<hbm>> -> memref<1x1x80xi32, #tpu.memory_space<hbm>>
    %dma_wait3A_55 = tpu.memref_squeeze %dma_wait3A_54 : memref<1x1x80xi32, #tpu.memory_space<hbm>> -> memref<80xi32, #tpu.memory_space<hbm>>
    %dma_wait3A_56 = arith.constant 0 : i32
    %dma_wait3A_57 = tpu.memref_slice %arg4[%add3A, %dma_wait3A_52, %dma_wait3A_56] : memref<32x125x80xi32, #tpu.memory_space<hbm>> -> memref<1x1x80xi32, #tpu.memory_space<hbm>>
    %dma_wait3A_58 = tpu.memref_squeeze %dma_wait3A_57 : memref<1x1x80xi32, #tpu.memory_space<hbm>> -> memref<80xi32, #tpu.memory_space<hbm>>
    tpu.wait_dma2 semaphore(%arg17 : memref<!tpu.dma_semaphore, #tpu.memory_space<semaphore_mem>>) src(%dma_wait3A_58 : memref<80xi32, #tpu.memory_space<hbm>>) dst(%arg8 : memref<80xi32, #tpu.memory_space<vmem>>)
    %dma_start3A_59 = arith.constant 0 : i32
    %dma_start3A_60 = arith.constant 0 : i32
    %dma_start3A_61 = tpu.memref_slice %arg12[%dma_start3A_59, %dma_start3A_60] : memref<10000x128xf32, #tpu.memory_space<vmem_shared>> -> memref<10000x128xf32, #tpu.memory_space<vmem_shared>>
    tpu.enqueue_indirect_dma source(%arg10 : memref<80x128xf32, #tpu.memory_space<vmem>>) target(%dma_start3A_61 : memref<10000x128xf32, #tpu.memory_space<vmem_shared>>) offsets(%arg8 : memref<80xi32, #tpu.memory_space<vmem>>) semaphore(%arg15 : memref<!tpu.dma_semaphore, #tpu.memory_space<semaphore_mem>>) {add = true}
    %dma_wait3A_62 = arith.constant 0 : i32
    %dma_wait3A_63 = arith.constant 0 : i32
    %dma_wait3A_64 = tpu.memref_slice %arg12[%dma_wait3A_62, %dma_wait3A_63] : memref<10000x128xf32, #tpu.memory_space<vmem_shared>> -> memref<10000x128xf32, #tpu.memory_space<vmem_shared>>
    tpu.wait_indirect_dma semaphore(%arg15 : memref<!tpu.dma_semaphore, #tpu.memory_space<semaphore_mem>>) src(%arg10 : memref<80x128xf32, #tpu.memory_space<vmem>>) dst(%dma_wait3A_64 : memref<10000x128xf32, #tpu.memory_space<vmem_shared>>)
    %barrier3A_65 = arith.constant 0 : index
    tpu.barrier barrier_id(%barrier3A_65)
    %lt3A_66 = arith.constant 15 : i32
    %lt3A_67 = arith.cmpi slt, %arg1, %lt3A_66 : i32
    %convert_element_type3A_68 = arith.extui %lt3A_67 : i1 to i32
    %cond3A_69 = arith.constant 0 : i32
    %cond3A_70 = arith.cmpi ne, %convert_element_type3A_68, %cond3A_69 : i32
    scf.if %cond3A_70 {
      "tpu.region"() ({
        %run_scoped3A = tpu.sem_alloc : memref<!tpu.dma_semaphore, #tpu.memory_space<semaphore_mem>>
        %dma_start3A_76 = arith.constant 0 : i32
        %dma_start3A_77 = tpu.memref_slice %arg6[%arg0, %mul3A_2, %dma_start3A_76] : memref<2x10000x128xf32, #tpu.memory_space<hbm>> -> memref<1x640x128xf32, #tpu.memory_space<hbm>>
        %dma_start3A_78 = tpu.memref_squeeze %dma_start3A_77 : memref<1x640x128xf32, #tpu.memory_space<hbm>> -> memref<640x128xf32, #tpu.memory_space<hbm>>
        %dma_start3A_79 = arith.constant 0 : i32
        %dma_start3A_80 = tpu.memref_slice %arg12[%mul3A_2, %dma_start3A_79] : memref<10000x128xf32, #tpu.memory_space<vmem_shared>> -> memref<640x128xf32, #tpu.memory_space<vmem_shared>>
        tpu.enqueue_dma source(%dma_start3A_80 : memref<640x128xf32, #tpu.memory_space<vmem_shared>>) target(%dma_start3A_78 : memref<640x128xf32, #tpu.memory_space<hbm>>) target_semaphore(%run_scoped3A : memref<!tpu.dma_semaphore, #tpu.memory_space<semaphore_mem>>)
        %dma_wait3A_81 = arith.constant 0 : i32
        %dma_wait3A_82 = tpu.memref_slice %arg6[%arg0, %mul3A_2, %dma_wait3A_81] : memref<2x10000x128xf32, #tpu.memory_space<hbm>> -> memref<1x640x128xf32, #tpu.memory_space<hbm>>
        %dma_wait3A_83 = tpu.memref_squeeze %dma_wait3A_82 : memref<1x640x128xf32, #tpu.memory_space<hbm>> -> memref<640x128xf32, #tpu.memory_space<hbm>>
        %dma_wait3A_84 = arith.constant 0 : i32
        %dma_wait3A_85 = tpu.memref_slice %arg12[%mul3A_2, %dma_wait3A_84] : memref<10000x128xf32, #tpu.memory_space<vmem_shared>> -> memref<640x128xf32, #tpu.memory_space<vmem_shared>>
        tpu.wait_dma2 semaphore(%run_scoped3A : memref<!tpu.dma_semaphore, #tpu.memory_space<semaphore_mem>>) src(%dma_wait3A_85 : memref<640x128xf32, #tpu.memory_space<vmem_shared>>) dst(%dma_wait3A_83 : memref<640x128xf32, #tpu.memory_space<hbm>>)
        tpu.yield
      }) : () -> ()
    } else {
    }
    %eq3A_71 = arith.constant 15 : i32
    %eq3A_72 = arith.cmpi eq, %arg1, %eq3A_71 : i32
    %convert_element_type3A_73 = arith.extui %eq3A_72 : i1 to i32
    %cond3A_74 = arith.constant 0 : i32
    %cond3A_75 = arith.cmpi ne, %convert_element_type3A_73, %cond3A_74 : i32
    scf.if %cond3A_75 {
      "tpu.region"() ({
        %run_scoped3A = tpu.sem_alloc : memref<!tpu.dma_semaphore, #tpu.memory_space<semaphore_mem>>
        %dma_start3A_76 = arith.constant 0 : i32
        %dma_start3A_77 = tpu.memref_slice %arg6[%arg0, %mul3A_2, %dma_start3A_76] : memref<2x10000x128xf32, #tpu.memory_space<hbm>> -> memref<1x400x128xf32, #tpu.memory_space<hbm>>
        %dma_start3A_78 = tpu.memref_squeeze %dma_start3A_77 : memref<1x400x128xf32, #tpu.memory_space<hbm>> -> memref<400x128xf32, #tpu.memory_space<hbm>>
        %dma_start3A_79 = arith.constant 0 : i32
        %dma_start3A_80 = tpu.memref_slice %arg12[%mul3A_2, %dma_start3A_79] : memref<10000x128xf32, #tpu.memory_space<vmem_shared>> -> memref<400x128xf32, #tpu.memory_space<vmem_shared>>
        tpu.enqueue_dma source(%dma_start3A_80 : memref<400x128xf32, #tpu.memory_space<vmem_shared>>) target(%dma_start3A_78 : memref<400x128xf32, #tpu.memory_space<hbm>>) target_semaphore(%run_scoped3A : memref<!tpu.dma_semaphore, #tpu.memory_space<semaphore_mem>>)
        %dma_wait3A_81 = arith.constant 0 : i32
        %dma_wait3A_82 = tpu.memref_slice %arg6[%arg0, %mul3A_2, %dma_wait3A_81] : memref<2x10000x128xf32, #tpu.memory_space<hbm>> -> memref<1x400x128xf32, #tpu.memory_space<hbm>>
        %dma_wait3A_83 = tpu.memref_squeeze %dma_wait3A_82 : memref<1x400x128xf32, #tpu.memory_space<hbm>> -> memref<400x128xf32, #tpu.memory_space<hbm>>
        %dma_wait3A_84 = arith.constant 0 : i32
        %dma_wait3A_85 = tpu.memref_slice %arg12[%mul3A_2, %dma_wait3A_84] : memref<10000x128xf32, #tpu.memory_space<vmem_shared>> -> memref<400x128xf32, #tpu.memory_space<vmem_shared>>
        tpu.wait_dma2 semaphore(%run_scoped3A : memref<!tpu.dma_semaphore, #tpu.memory_space<semaphore_mem>>) src(%dma_wait3A_85 : memref<400x128xf32, #tpu.memory_space<vmem_shared>>) dst(%dma_wait3A_83 : memref<400x128xf32, #tpu.memory_space<hbm>>)
        tpu.yield
      }) : () -> ()
    } else {
    }
    return
  }
}

#map = affine_map<(d0, d1) -> (0, 0)>
#map1 = affine_map<(d0, d1) -> (0, 0, 0)>
#map2 = affine_map<(d0, d1) -> (0)>
module attributes {stable_mosaic.version = 14 : i64} {
  func.func @_seg_body(%arg0: i32, %arg1: i32, %arg2: memref<10000x128xf32, #tpu.memory_space<hbm>>, %arg3: memref<32x125x80xi32, #tpu.memory_space<hbm>>, %arg4: memref<32x125x80xi32, #tpu.memory_space<hbm>>, %arg5: memref<10000x128xf32, #tpu.memory_space<hbm>>, %arg6: memref<2x10000x128xf32, #tpu.memory_space<hbm>>, %arg7: memref<20000xf32, #tpu.memory_space<hbm>>, %arg8: memref<125x80xi32, #tpu.memory_space<vmem>>, %arg9: memref<80xi32, #tpu.memory_space<vmem>>, %arg10: memref<80xi32, #tpu.memory_space<vmem>>, %arg11: memref<80x128xf32, #tpu.memory_space<vmem>>, %arg12: memref<80x128xf32, #tpu.memory_space<vmem>>, %arg13: memref<80xf32, #tpu.memory_space<vmem>>, %arg14: memref<640xf32, #tpu.memory_space<vmem>>, %arg15: memref<10000x128xf32, #tpu.memory_space<vmem_shared>>, %arg16: memref<10000xf32, #tpu.memory_space<vmem_shared>>, %arg17: memref<!tpu.dma_semaphore, #tpu.memory_space<semaphore_mem>>, %arg18: memref<!tpu.dma_semaphore, #tpu.memory_space<semaphore_mem>>, %arg19: memref<!tpu.dma_semaphore, #tpu.memory_space<semaphore_mem>>, %arg20: memref<!tpu.dma_semaphore, #tpu.memory_space<semaphore_mem>>, %arg21: memref<!tpu.dma_semaphore, #tpu.memory_space<semaphore_mem>>, %arg22: memref<!tpu.dma_semaphore, #tpu.memory_space<semaphore_mem>>, %arg23: memref<!tpu.dma_semaphore, #tpu.memory_space<semaphore_mem>>, %arg24: memref<!tpu.dma_semaphore, #tpu.memory_space<semaphore_mem>>) attributes {dimension_semantics = [#tpu.dimension_semantics<core_parallel>, #tpu.dimension_semantics<subcore_parallel>], iteration_bounds = array<i64: 2, 16>, scalar_prefetch = 0 : i64, scratch_operands = 17 : i64, tpu.core_type = #tpu.core_type<sc_vector_subcore>, window_params = [{transform_indices = #map}, {transform_indices = #map1}, {transform_indices = #map1}, {transform_indices = #map}, {transform_indices = #map1}, {transform_indices = #map2}]} {
    %mul3A = arith.constant 2 : i32
    %mul3A_0 = arith.muli %arg1, %mul3A : i32
    %add3A = arith.addi %mul3A_0, %arg0 : i32
    %mul3A_1 = arith.constant 640 : i32
    %mul3A_2 = arith.muli %arg1, %mul3A_1 : i32
    %dma_start3A = arith.constant 0 : i32
    %dma_start3A_3 = arith.constant 0 : i32
    %dma_start3A_4 = tpu.memref_slice %arg3[%add3A, %dma_start3A, %dma_start3A_3] : memref<32x125x80xi32, #tpu.memory_space<hbm>> -> memref<1x125x80xi32, #tpu.memory_space<hbm>>
    %dma_start3A_5 = tpu.memref_squeeze %dma_start3A_4 : memref<1x125x80xi32, #tpu.memory_space<hbm>> -> memref<125x80xi32, #tpu.memory_space<hbm>>
    %dma_start3A_6 = arith.constant 0 : i32
    %dma_start3A_7 = arith.constant 0 : i32
    %dma_start3A_8 = tpu.memref_slice %arg3[%add3A, %dma_start3A_6, %dma_start3A_7] : memref<32x125x80xi32, #tpu.memory_space<hbm>> -> memref<1x125x80xi32, #tpu.memory_space<hbm>>
    %dma_start3A_9 = tpu.memref_squeeze %dma_start3A_8 : memref<1x125x80xi32, #tpu.memory_space<hbm>> -> memref<125x80xi32, #tpu.memory_space<hbm>>
    tpu.enqueue_dma source(%dma_start3A_9 : memref<125x80xi32, #tpu.memory_space<hbm>>) target(%arg8 : memref<125x80xi32, #tpu.memory_space<vmem>>) target_semaphore(%arg24 : memref<!tpu.dma_semaphore, #tpu.memory_space<semaphore_mem>>)
    %dma_start3A_10 = arith.constant 0 : i32
    %dma_start3A_11 = arith.constant 0 : i32
    %dma_start3A_12 = tpu.memref_slice %arg4[%add3A, %dma_start3A_10, %dma_start3A_11] : memref<32x125x80xi32, #tpu.memory_space<hbm>> -> memref<1x1x80xi32, #tpu.memory_space<hbm>>
    %dma_start3A_13 = tpu.memref_squeeze %dma_start3A_12 : memref<1x1x80xi32, #tpu.memory_space<hbm>> -> memref<80xi32, #tpu.memory_space<hbm>>
    %dma_start3A_14 = arith.constant 0 : i32
    %dma_start3A_15 = tpu.memref_slice %arg4[%add3A, %dma_start3A_10, %dma_start3A_14] : memref<32x125x80xi32, #tpu.memory_space<hbm>> -> memref<1x1x80xi32, #tpu.memory_space<hbm>>
    %dma_start3A_16 = tpu.memref_squeeze %dma_start3A_15 : memref<1x1x80xi32, #tpu.memory_space<hbm>> -> memref<80xi32, #tpu.memory_space<hbm>>
    tpu.enqueue_dma source(%dma_start3A_16 : memref<80xi32, #tpu.memory_space<hbm>>) target(%arg9 : memref<80xi32, #tpu.memory_space<vmem>>) target_semaphore(%arg21 : memref<!tpu.dma_semaphore, #tpu.memory_space<semaphore_mem>>)
    %lt3A = arith.constant 15 : i32
    %lt3A_17 = arith.cmpi slt, %arg1, %lt3A : i32
    %convert_element_type3A = arith.extui %lt3A_17 : i1 to i32
    %cond3A = arith.constant 0 : i32
    %cond3A_18 = arith.cmpi ne, %convert_element_type3A, %cond3A : i32
    scf.if %cond3A_18 {
      "tpu.region"() ({
        %run_scoped3A = tpu.sem_alloc : memref<!tpu.dma_semaphore, #tpu.memory_space<semaphore_mem>>
        %dma_start3A_360 = arith.constant 0 : i32
        %dma_start3A_361 = tpu.memref_slice %arg15[%mul3A_2, %dma_start3A_360] : memref<10000x128xf32, #tpu.memory_space<vmem_shared>> -> memref<640x128xf32, #tpu.memory_space<vmem_shared>>
        %dma_start3A_362 = arith.constant 0 : i32
        %dma_start3A_363 = tpu.memref_slice %arg5[%mul3A_2, %dma_start3A_362] : memref<10000x128xf32, #tpu.memory_space<hbm>> -> memref<640x128xf32, #tpu.memory_space<hbm>>
        tpu.enqueue_dma source(%dma_start3A_363 : memref<640x128xf32, #tpu.memory_space<hbm>>) target(%dma_start3A_361 : memref<640x128xf32, #tpu.memory_space<vmem_shared>>) target_semaphore(%run_scoped3A : memref<!tpu.dma_semaphore, #tpu.memory_space<semaphore_mem>>)
        %dma_wait3A_364 = arith.constant 0 : i32
        %dma_wait3A_365 = tpu.memref_slice %arg15[%mul3A_2, %dma_wait3A_364] : memref<10000x128xf32, #tpu.memory_space<vmem_shared>> -> memref<640x128xf32, #tpu.memory_space<vmem_shared>>
        %dma_wait3A_366 = arith.constant 0 : i32
        %dma_wait3A_367 = tpu.memref_slice %arg5[%mul3A_2, %dma_wait3A_366] : memref<10000x128xf32, #tpu.memory_space<hbm>> -> memref<640x128xf32, #tpu.memory_space<hbm>>
        tpu.wait_dma2 semaphore(%run_scoped3A : memref<!tpu.dma_semaphore, #tpu.memory_space<semaphore_mem>>) src(%dma_wait3A_367 : memref<640x128xf32, #tpu.memory_space<hbm>>) dst(%dma_wait3A_365 : memref<640x128xf32, #tpu.memory_space<vmem_shared>>)
        tpu.yield
      }) : () -> ()
    } else {
    }
    %eq3A = arith.constant 15 : i32
    %eq3A_19 = arith.cmpi eq, %arg1, %eq3A : i32
    %convert_element_type3A_20 = arith.extui %eq3A_19 : i1 to i32
    %cond3A_21 = arith.constant 0 : i32
    %cond3A_22 = arith.cmpi ne, %convert_element_type3A_20, %cond3A_21 : i32
    scf.if %cond3A_22 {
      "tpu.region"() ({
        %run_scoped3A = tpu.sem_alloc : memref<!tpu.dma_semaphore, #tpu.memory_space<semaphore_mem>>
        %dma_start3A_360 = arith.constant 0 : i32
        %dma_start3A_361 = tpu.memref_slice %arg15[%mul3A_2, %dma_start3A_360] : memref<10000x128xf32, #tpu.memory_space<vmem_shared>> -> memref<400x128xf32, #tpu.memory_space<vmem_shared>>
        %dma_start3A_362 = arith.constant 0 : i32
        %dma_start3A_363 = tpu.memref_slice %arg5[%mul3A_2, %dma_start3A_362] : memref<10000x128xf32, #tpu.memory_space<hbm>> -> memref<400x128xf32, #tpu.memory_space<hbm>>
        tpu.enqueue_dma source(%dma_start3A_363 : memref<400x128xf32, #tpu.memory_space<hbm>>) target(%dma_start3A_361 : memref<400x128xf32, #tpu.memory_space<vmem_shared>>) target_semaphore(%run_scoped3A : memref<!tpu.dma_semaphore, #tpu.memory_space<semaphore_mem>>)
        %dma_wait3A_364 = arith.constant 0 : i32
        %dma_wait3A_365 = tpu.memref_slice %arg15[%mul3A_2, %dma_wait3A_364] : memref<10000x128xf32, #tpu.memory_space<vmem_shared>> -> memref<400x128xf32, #tpu.memory_space<vmem_shared>>
        %dma_wait3A_366 = arith.constant 0 : i32
        %dma_wait3A_367 = tpu.memref_slice %arg5[%mul3A_2, %dma_wait3A_366] : memref<10000x128xf32, #tpu.memory_space<hbm>> -> memref<400x128xf32, #tpu.memory_space<hbm>>
        tpu.wait_dma2 semaphore(%run_scoped3A : memref<!tpu.dma_semaphore, #tpu.memory_space<semaphore_mem>>) src(%dma_wait3A_367 : memref<400x128xf32, #tpu.memory_space<hbm>>) dst(%dma_wait3A_365 : memref<400x128xf32, #tpu.memory_space<vmem_shared>>)
        tpu.yield
      }) : () -> ()
    } else {
    }
    %broadcast_in_dim3A = arith.constant 1.000000e+00 : f32
    %broadcast_in_dim3A_23 = vector.broadcast %broadcast_in_dim3A : f32 to vector<16xf32>
    %swap3A = arith.constant 0 : index
    %swap3A_24 = tpu.vector_load %arg13[%swap3A] {strides = array<i32>} : memref<80xf32, #tpu.memory_space<vmem>>, vector<16xf32>,
    %swap3A_25 = vector.shape_cast %swap3A_24 : vector<16xf32> to vector<16xf32>
    %swap3A_26 = vector.shape_cast %broadcast_in_dim3A_23 : vector<16xf32> to vector<16xf32>
    tpu.vector_store %arg13[%swap3A], %swap3A_26 {strides = array<i32>} : memref<80xf32, #tpu.memory_space<vmem>>, vector<16xf32>,
    %broadcast_in_dim3A_27 = arith.constant 1.000000e+00 : f32
    %broadcast_in_dim3A_28 = vector.broadcast %broadcast_in_dim3A_27 : f32 to vector<16xf32>
    %swap3A_29 = arith.constant 16 : index
    %swap3A_30 = tpu.vector_load %arg13[%swap3A_29] {strides = array<i32>} : memref<80xf32, #tpu.memory_space<vmem>>, vector<16xf32>,
    %swap3A_31 = vector.shape_cast %swap3A_30 : vector<16xf32> to vector<16xf32>
    %swap3A_32 = vector.shape_cast %broadcast_in_dim3A_28 : vector<16xf32> to vector<16xf32>
    tpu.vector_store %arg13[%swap3A_29], %swap3A_32 {strides = array<i32>} : memref<80xf32, #tpu.memory_space<vmem>>, vector<16xf32>,
    %broadcast_in_dim3A_33 = arith.constant 1.000000e+00 : f32
    %broadcast_in_dim3A_34 = vector.broadcast %broadcast_in_dim3A_33 : f32 to vector<16xf32>
    %swap3A_35 = arith.constant 32 : index
    %swap3A_36 = tpu.vector_load %arg13[%swap3A_35] {strides = array<i32>} : memref<80xf32, #tpu.memory_space<vmem>>, vector<16xf32>,
    %swap3A_37 = vector.shape_cast %swap3A_36 : vector<16xf32> to vector<16xf32>
    %swap3A_38 = vector.shape_cast %broadcast_in_dim3A_34 : vector<16xf32> to vector<16xf32>
    tpu.vector_store %arg13[%swap3A_35], %swap3A_38 {strides = array<i32>} : memref<80xf32, #tpu.memory_space<vmem>>, vector<16xf32>,
    %broadcast_in_dim3A_39 = arith.constant 1.000000e+00 : f32
    %broadcast_in_dim3A_40 = vector.broadcast %broadcast_in_dim3A_39 : f32 to vector<16xf32>
    %swap3A_41 = arith.constant 48 : index
    %swap3A_42 = tpu.vector_load %arg13[%swap3A_41] {strides = array<i32>} : memref<80xf32, #tpu.memory_space<vmem>>, vector<16xf32>,
    %swap3A_43 = vector.shape_cast %swap3A_42 : vector<16xf32> to vector<16xf32>
    %swap3A_44 = vector.shape_cast %broadcast_in_dim3A_40 : vector<16xf32> to vector<16xf32>
    tpu.vector_store %arg13[%swap3A_41], %swap3A_44 {strides = array<i32>} : memref<80xf32, #tpu.memory_space<vmem>>, vector<16xf32>,
    %broadcast_in_dim3A_45 = arith.constant 1.000000e+00 : f32
    %broadcast_in_dim3A_46 = vector.broadcast %broadcast_in_dim3A_45 : f32 to vector<16xf32>
    %swap3A_47 = arith.constant 64 : index
    %swap3A_48 = tpu.vector_load %arg13[%swap3A_47] {strides = array<i32>} : memref<80xf32, #tpu.memory_space<vmem>>, vector<16xf32>,
    %swap3A_49 = vector.shape_cast %swap3A_48 : vector<16xf32> to vector<16xf32>
    %swap3A_50 = vector.shape_cast %broadcast_in_dim3A_46 : vector<16xf32> to vector<16xf32>
    tpu.vector_store %arg13[%swap3A_47], %swap3A_50 {strides = array<i32>} : memref<80xf32, #tpu.memory_space<vmem>>, vector<16xf32>,
    %broadcast_in_dim3A_51 = arith.constant 0.000000e+00 : f32
    %broadcast_in_dim3A_52 = vector.broadcast %broadcast_in_dim3A_51 : f32 to vector<16xf32>
    %swap3A_53 = arith.constant 0 : index
    %swap3A_54 = tpu.vector_load %arg14[%swap3A_53] {strides = array<i32>} : memref<640xf32, #tpu.memory_space<vmem>>, vector<16xf32>,
    %swap3A_55 = vector.shape_cast %swap3A_54 : vector<16xf32> to vector<16xf32>
    %swap3A_56 = vector.shape_cast %broadcast_in_dim3A_52 : vector<16xf32> to vector<16xf32>
    tpu.vector_store %arg14[%swap3A_53], %swap3A_56 {strides = array<i32>} : memref<640xf32, #tpu.memory_space<vmem>>, vector<16xf32>,
    %broadcast_in_dim3A_57 = arith.constant 0.000000e+00 : f32
    %broadcast_in_dim3A_58 = vector.broadcast %broadcast_in_dim3A_57 : f32 to vector<16xf32>
    %swap3A_59 = arith.constant 16 : index
    %swap3A_60 = tpu.vector_load %arg14[%swap3A_59] {strides = array<i32>} : memref<640xf32, #tpu.memory_space<vmem>>, vector<16xf32>,
    %swap3A_61 = vector.shape_cast %swap3A_60 : vector<16xf32> to vector<16xf32>
    %swap3A_62 = vector.shape_cast %broadcast_in_dim3A_58 : vector<16xf32> to vector<16xf32>
    tpu.vector_store %arg14[%swap3A_59], %swap3A_62 {strides = array<i32>} : memref<640xf32, #tpu.memory_space<vmem>>, vector<16xf32>,
    %broadcast_in_dim3A_63 = arith.constant 0.000000e+00 : f32
    %broadcast_in_dim3A_64 = vector.broadcast %broadcast_in_dim3A_63 : f32 to vector<16xf32>
    %swap3A_65 = arith.constant 32 : index
    %swap3A_66 = tpu.vector_load %arg14[%swap3A_65] {strides = array<i32>} : memref<640xf32, #tpu.memory_space<vmem>>, vector<16xf32>,
    %swap3A_67 = vector.shape_cast %swap3A_66 : vector<16xf32> to vector<16xf32>
    %swap3A_68 = vector.shape_cast %broadcast_in_dim3A_64 : vector<16xf32> to vector<16xf32>
    tpu.vector_store %arg14[%swap3A_65], %swap3A_68 {strides = array<i32>} : memref<640xf32, #tpu.memory_space<vmem>>, vector<16xf32>,
    %broadcast_in_dim3A_69 = arith.constant 0.000000e+00 : f32
    %broadcast_in_dim3A_70 = vector.broadcast %broadcast_in_dim3A_69 : f32 to vector<16xf32>
    %swap3A_71 = arith.constant 48 : index
    %swap3A_72 = tpu.vector_load %arg14[%swap3A_71] {strides = array<i32>} : memref<640xf32, #tpu.memory_space<vmem>>, vector<16xf32>,
    %swap3A_73 = vector.shape_cast %swap3A_72 : vector<16xf32> to vector<16xf32>
    %swap3A_74 = vector.shape_cast %broadcast_in_dim3A_70 : vector<16xf32> to vector<16xf32>
    tpu.vector_store %arg14[%swap3A_71], %swap3A_74 {strides = array<i32>} : memref<640xf32, #tpu.memory_space<vmem>>, vector<16xf32>,
    %broadcast_in_dim3A_75 = arith.constant 0.000000e+00 : f32
    %broadcast_in_dim3A_76 = vector.broadcast %broadcast_in_dim3A_75 : f32 to vector<16xf32>
    %swap3A_77 = arith.constant 64 : index
    %swap3A_78 = tpu.vector_load %arg14[%swap3A_77] {strides = array<i32>} : memref<640xf32, #tpu.memory_space<vmem>>, vector<16xf32>,
    %swap3A_79 = vector.shape_cast %swap3A_78 : vector<16xf32> to vector<16xf32>
    %swap3A_80 = vector.shape_cast %broadcast_in_dim3A_76 : vector<16xf32> to vector<16xf32>
    tpu.vector_store %arg14[%swap3A_77], %swap3A_80 {strides = array<i32>} : memref<640xf32, #tpu.memory_space<vmem>>, vector<16xf32>,
    %broadcast_in_dim3A_81 = arith.constant 0.000000e+00 : f32
    %broadcast_in_dim3A_82 = vector.broadcast %broadcast_in_dim3A_81 : f32 to vector<16xf32>
    %swap3A_83 = arith.constant 80 : index
    %swap3A_84 = tpu.vector_load %arg14[%swap3A_83] {strides = array<i32>} : memref<640xf32, #tpu.memory_space<vmem>>, vector<16xf32>,
    %swap3A_85 = vector.shape_cast %swap3A_84 : vector<16xf32> to vector<16xf32>
    %swap3A_86 = vector.shape_cast %broadcast_in_dim3A_82 : vector<16xf32> to vector<16xf32>
    tpu.vector_store %arg14[%swap3A_83], %swap3A_86 {strides = array<i32>} : memref<640xf32, #tpu.memory_space<vmem>>, vector<16xf32>,
    %broadcast_in_dim3A_87 = arith.constant 0.000000e+00 : f32
    %broadcast_in_dim3A_88 = vector.broadcast %broadcast_in_dim3A_87 : f32 to vector<16xf32>
    %swap3A_89 = arith.constant 96 : index
    %swap3A_90 = tpu.vector_load %arg14[%swap3A_89] {strides = array<i32>} : memref<640xf32, #tpu.memory_space<vmem>>, vector<16xf32>,
    %swap3A_91 = vector.shape_cast %swap3A_90 : vector<16xf32> to vector<16xf32>
    %swap3A_92 = vector.shape_cast %broadcast_in_dim3A_88 : vector<16xf32> to vector<16xf32>
    tpu.vector_store %arg14[%swap3A_89], %swap3A_92 {strides = array<i32>} : memref<640xf32, #tpu.memory_space<vmem>>, vector<16xf32>,
    %broadcast_in_dim3A_93 = arith.constant 0.000000e+00 : f32
    %broadcast_in_dim3A_94 = vector.broadcast %broadcast_in_dim3A_93 : f32 to vector<16xf32>
    %swap3A_95 = arith.constant 112 : index
    %swap3A_96 = tpu.vector_load %arg14[%swap3A_95] {strides = array<i32>} : memref<640xf32, #tpu.memory_space<vmem>>, vector<16xf32>,
    %swap3A_97 = vector.shape_cast %swap3A_96 : vector<16xf32> to vector<16xf32>
    %swap3A_98 = vector.shape_cast %broadcast_in_dim3A_94 : vector<16xf32> to vector<16xf32>
    tpu.vector_store %arg14[%swap3A_95], %swap3A_98 {strides = array<i32>} : memref<640xf32, #tpu.memory_space<vmem>>, vector<16xf32>,
    %broadcast_in_dim3A_99 = arith.constant 0.000000e+00 : f32
    %broadcast_in_dim3A_100 = vector.broadcast %broadcast_in_dim3A_99 : f32 to vector<16xf32>
    %swap3A_101 = arith.constant 128 : index
    %swap3A_102 = tpu.vector_load %arg14[%swap3A_101] {strides = array<i32>} : memref<640xf32, #tpu.memory_space<vmem>>, vector<16xf32>,
    %swap3A_103 = vector.shape_cast %swap3A_102 : vector<16xf32> to vector<16xf32>
    %swap3A_104 = vector.shape_cast %broadcast_in_dim3A_100 : vector<16xf32> to vector<16xf32>
    tpu.vector_store %arg14[%swap3A_101], %swap3A_104 {strides = array<i32>} : memref<640xf32, #tpu.memory_space<vmem>>, vector<16xf32>,
    %broadcast_in_dim3A_105 = arith.constant 0.000000e+00 : f32
    %broadcast_in_dim3A_106 = vector.broadcast %broadcast_in_dim3A_105 : f32 to vector<16xf32>
    %swap3A_107 = arith.constant 144 : index
    %swap3A_108 = tpu.vector_load %arg14[%swap3A_107] {strides = array<i32>} : memref<640xf32, #tpu.memory_space<vmem>>, vector<16xf32>,
    %swap3A_109 = vector.shape_cast %swap3A_108 : vector<16xf32> to vector<16xf32>
    %swap3A_110 = vector.shape_cast %broadcast_in_dim3A_106 : vector<16xf32> to vector<16xf32>
    tpu.vector_store %arg14[%swap3A_107], %swap3A_110 {strides = array<i32>} : memref<640xf32, #tpu.memory_space<vmem>>, vector<16xf32>,
    %broadcast_in_dim3A_111 = arith.constant 0.000000e+00 : f32
    %broadcast_in_dim3A_112 = vector.broadcast %broadcast_in_dim3A_111 : f32 to vector<16xf32>
    %swap3A_113 = arith.constant 160 : index
    %swap3A_114 = tpu.vector_load %arg14[%swap3A_113] {strides = array<i32>} : memref<640xf32, #tpu.memory_space<vmem>>, vector<16xf32>,
    %swap3A_115 = vector.shape_cast %swap3A_114 : vector<16xf32> to vector<16xf32>
    %swap3A_116 = vector.shape_cast %broadcast_in_dim3A_112 : vector<16xf32> to vector<16xf32>
    tpu.vector_store %arg14[%swap3A_113], %swap3A_116 {strides = array<i32>} : memref<640xf32, #tpu.memory_space<vmem>>, vector<16xf32>,
    %broadcast_in_dim3A_117 = arith.constant 0.000000e+00 : f32
    %broadcast_in_dim3A_118 = vector.broadcast %broadcast_in_dim3A_117 : f32 to vector<16xf32>
    %swap3A_119 = arith.constant 176 : index
    %swap3A_120 = tpu.vector_load %arg14[%swap3A_119] {strides = array<i32>} : memref<640xf32, #tpu.memory_space<vmem>>, vector<16xf32>,
    %swap3A_121 = vector.shape_cast %swap3A_120 : vector<16xf32> to vector<16xf32>
    %swap3A_122 = vector.shape_cast %broadcast_in_dim3A_118 : vector<16xf32> to vector<16xf32>
    tpu.vector_store %arg14[%swap3A_119], %swap3A_122 {strides = array<i32>} : memref<640xf32, #tpu.memory_space<vmem>>, vector<16xf32>,
    %broadcast_in_dim3A_123 = arith.constant 0.000000e+00 : f32
    %broadcast_in_dim3A_124 = vector.broadcast %broadcast_in_dim3A_123 : f32 to vector<16xf32>
    %swap3A_125 = arith.constant 192 : index
    %swap3A_126 = tpu.vector_load %arg14[%swap3A_125] {strides = array<i32>} : memref<640xf32, #tpu.memory_space<vmem>>, vector<16xf32>,
    %swap3A_127 = vector.shape_cast %swap3A_126 : vector<16xf32> to vector<16xf32>
    %swap3A_128 = vector.shape_cast %broadcast_in_dim3A_124 : vector<16xf32> to vector<16xf32>
    tpu.vector_store %arg14[%swap3A_125], %swap3A_128 {strides = array<i32>} : memref<640xf32, #tpu.memory_space<vmem>>, vector<16xf32>,
    %broadcast_in_dim3A_129 = arith.constant 0.000000e+00 : f32
    %broadcast_in_dim3A_130 = vector.broadcast %broadcast_in_dim3A_129 : f32 to vector<16xf32>
    %swap3A_131 = arith.constant 208 : index
    %swap3A_132 = tpu.vector_load %arg14[%swap3A_131] {strides = array<i32>} : memref<640xf32, #tpu.memory_space<vmem>>, vector<16xf32>,
    %swap3A_133 = vector.shape_cast %swap3A_132 : vector<16xf32> to vector<16xf32>
    %swap3A_134 = vector.shape_cast %broadcast_in_dim3A_130 : vector<16xf32> to vector<16xf32>
    tpu.vector_store %arg14[%swap3A_131], %swap3A_134 {strides = array<i32>} : memref<640xf32, #tpu.memory_space<vmem>>, vector<16xf32>,
    %broadcast_in_dim3A_135 = arith.constant 0.000000e+00 : f32
    %broadcast_in_dim3A_136 = vector.broadcast %broadcast_in_dim3A_135 : f32 to vector<16xf32>
    %swap3A_137 = arith.constant 224 : index
    %swap3A_138 = tpu.vector_load %arg14[%swap3A_137] {strides = array<i32>} : memref<640xf32, #tpu.memory_space<vmem>>, vector<16xf32>,
    %swap3A_139 = vector.shape_cast %swap3A_138 : vector<16xf32> to vector<16xf32>
    %swap3A_140 = vector.shape_cast %broadcast_in_dim3A_136 : vector<16xf32> to vector<16xf32>
    tpu.vector_store %arg14[%swap3A_137], %swap3A_140 {strides = array<i32>} : memref<640xf32, #tpu.memory_space<vmem>>, vector<16xf32>,
    %broadcast_in_dim3A_141 = arith.constant 0.000000e+00 : f32
    %broadcast_in_dim3A_142 = vector.broadcast %broadcast_in_dim3A_141 : f32 to vector<16xf32>
    %swap3A_143 = arith.constant 240 : index
    %swap3A_144 = tpu.vector_load %arg14[%swap3A_143] {strides = array<i32>} : memref<640xf32, #tpu.memory_space<vmem>>, vector<16xf32>,
    %swap3A_145 = vector.shape_cast %swap3A_144 : vector<16xf32> to vector<16xf32>
    %swap3A_146 = vector.shape_cast %broadcast_in_dim3A_142 : vector<16xf32> to vector<16xf32>
    tpu.vector_store %arg14[%swap3A_143], %swap3A_146 {strides = array<i32>} : memref<640xf32, #tpu.memory_space<vmem>>, vector<16xf32>,
    %broadcast_in_dim3A_147 = arith.constant 0.000000e+00 : f32
    %broadcast_in_dim3A_148 = vector.broadcast %broadcast_in_dim3A_147 : f32 to vector<16xf32>
    %swap3A_149 = arith.constant 256 : index
    %swap3A_150 = tpu.vector_load %arg14[%swap3A_149] {strides = array<i32>} : memref<640xf32, #tpu.memory_space<vmem>>, vector<16xf32>,
    %swap3A_151 = vector.shape_cast %swap3A_150 : vector<16xf32> to vector<16xf32>
    %swap3A_152 = vector.shape_cast %broadcast_in_dim3A_148 : vector<16xf32> to vector<16xf32>
    tpu.vector_store %arg14[%swap3A_149], %swap3A_152 {strides = array<i32>} : memref<640xf32, #tpu.memory_space<vmem>>, vector<16xf32>,
    %broadcast_in_dim3A_153 = arith.constant 0.000000e+00 : f32
    %broadcast_in_dim3A_154 = vector.broadcast %broadcast_in_dim3A_153 : f32 to vector<16xf32>
    %swap3A_155 = arith.constant 272 : index
    %swap3A_156 = tpu.vector_load %arg14[%swap3A_155] {strides = array<i32>} : memref<640xf32, #tpu.memory_space<vmem>>, vector<16xf32>,
    %swap3A_157 = vector.shape_cast %swap3A_156 : vector<16xf32> to vector<16xf32>
    %swap3A_158 = vector.shape_cast %broadcast_in_dim3A_154 : vector<16xf32> to vector<16xf32>
    tpu.vector_store %arg14[%swap3A_155], %swap3A_158 {strides = array<i32>} : memref<640xf32, #tpu.memory_space<vmem>>, vector<16xf32>,
    %broadcast_in_dim3A_159 = arith.constant 0.000000e+00 : f32
    %broadcast_in_dim3A_160 = vector.broadcast %broadcast_in_dim3A_159 : f32 to vector<16xf32>
    %swap3A_161 = arith.constant 288 : index
    %swap3A_162 = tpu.vector_load %arg14[%swap3A_161] {strides = array<i32>} : memref<640xf32, #tpu.memory_space<vmem>>, vector<16xf32>,
    %swap3A_163 = vector.shape_cast %swap3A_162 : vector<16xf32> to vector<16xf32>
    %swap3A_164 = vector.shape_cast %broadcast_in_dim3A_160 : vector<16xf32> to vector<16xf32>
    tpu.vector_store %arg14[%swap3A_161], %swap3A_164 {strides = array<i32>} : memref<640xf32, #tpu.memory_space<vmem>>, vector<16xf32>,
    %broadcast_in_dim3A_165 = arith.constant 0.000000e+00 : f32
    %broadcast_in_dim3A_166 = vector.broadcast %broadcast_in_dim3A_165 : f32 to vector<16xf32>
    %swap3A_167 = arith.constant 304 : index
    %swap3A_168 = tpu.vector_load %arg14[%swap3A_167] {strides = array<i32>} : memref<640xf32, #tpu.memory_space<vmem>>, vector<16xf32>,
    %swap3A_169 = vector.shape_cast %swap3A_168 : vector<16xf32> to vector<16xf32>
    %swap3A_170 = vector.shape_cast %broadcast_in_dim3A_166 : vector<16xf32> to vector<16xf32>
    tpu.vector_store %arg14[%swap3A_167], %swap3A_170 {strides = array<i32>} : memref<640xf32, #tpu.memory_space<vmem>>, vector<16xf32>,
    %broadcast_in_dim3A_171 = arith.constant 0.000000e+00 : f32
    %broadcast_in_dim3A_172 = vector.broadcast %broadcast_in_dim3A_171 : f32 to vector<16xf32>
    %swap3A_173 = arith.constant 320 : index
    %swap3A_174 = tpu.vector_load %arg14[%swap3A_173] {strides = array<i32>} : memref<640xf32, #tpu.memory_space<vmem>>, vector<16xf32>,
    %swap3A_175 = vector.shape_cast %swap3A_174 : vector<16xf32> to vector<16xf32>
    %swap3A_176 = vector.shape_cast %broadcast_in_dim3A_172 : vector<16xf32> to vector<16xf32>
    tpu.vector_store %arg14[%swap3A_173], %swap3A_176 {strides = array<i32>} : memref<640xf32, #tpu.memory_space<vmem>>, vector<16xf32>,
    %broadcast_in_dim3A_177 = arith.constant 0.000000e+00 : f32
    %broadcast_in_dim3A_178 = vector.broadcast %broadcast_in_dim3A_177 : f32 to vector<16xf32>
    %swap3A_179 = arith.constant 336 : index
    %swap3A_180 = tpu.vector_load %arg14[%swap3A_179] {strides = array<i32>} : memref<640xf32, #tpu.memory_space<vmem>>, vector<16xf32>,
    %swap3A_181 = vector.shape_cast %swap3A_180 : vector<16xf32> to vector<16xf32>
    %swap3A_182 = vector.shape_cast %broadcast_in_dim3A_178 : vector<16xf32> to vector<16xf32>
    tpu.vector_store %arg14[%swap3A_179], %swap3A_182 {strides = array<i32>} : memref<640xf32, #tpu.memory_space<vmem>>, vector<16xf32>,
    %broadcast_in_dim3A_183 = arith.constant 0.000000e+00 : f32
    %broadcast_in_dim3A_184 = vector.broadcast %broadcast_in_dim3A_183 : f32 to vector<16xf32>
    %swap3A_185 = arith.constant 352 : index
    %swap3A_186 = tpu.vector_load %arg14[%swap3A_185] {strides = array<i32>} : memref<640xf32, #tpu.memory_space<vmem>>, vector<16xf32>,
    %swap3A_187 = vector.shape_cast %swap3A_186 : vector<16xf32> to vector<16xf32>
    %swap3A_188 = vector.shape_cast %broadcast_in_dim3A_184 : vector<16xf32> to vector<16xf32>
    tpu.vector_store %arg14[%swap3A_185], %swap3A_188 {strides = array<i32>} : memref<640xf32, #tpu.memory_space<vmem>>, vector<16xf32>,
    %broadcast_in_dim3A_189 = arith.constant 0.000000e+00 : f32
    %broadcast_in_dim3A_190 = vector.broadcast %broadcast_in_dim3A_189 : f32 to vector<16xf32>
    %swap3A_191 = arith.constant 368 : index
    %swap3A_192 = tpu.vector_load %arg14[%swap3A_191] {strides = array<i32>} : memref<640xf32, #tpu.memory_space<vmem>>, vector<16xf32>,
    %swap3A_193 = vector.shape_cast %swap3A_192 : vector<16xf32> to vector<16xf32>
    %swap3A_194 = vector.shape_cast %broadcast_in_dim3A_190 : vector<16xf32> to vector<16xf32>
    tpu.vector_store %arg14[%swap3A_191], %swap3A_194 {strides = array<i32>} : memref<640xf32, #tpu.memory_space<vmem>>, vector<16xf32>,
    %broadcast_in_dim3A_195 = arith.constant 0.000000e+00 : f32
    %broadcast_in_dim3A_196 = vector.broadcast %broadcast_in_dim3A_195 : f32 to vector<16xf32>
    %swap3A_197 = arith.constant 384 : index
    %swap3A_198 = tpu.vector_load %arg14[%swap3A_197] {strides = array<i32>} : memref<640xf32, #tpu.memory_space<vmem>>, vector<16xf32>,
    %swap3A_199 = vector.shape_cast %swap3A_198 : vector<16xf32> to vector<16xf32>
    %swap3A_200 = vector.shape_cast %broadcast_in_dim3A_196 : vector<16xf32> to vector<16xf32>
    tpu.vector_store %arg14[%swap3A_197], %swap3A_200 {strides = array<i32>} : memref<640xf32, #tpu.memory_space<vmem>>, vector<16xf32>,
    %broadcast_in_dim3A_201 = arith.constant 0.000000e+00 : f32
    %broadcast_in_dim3A_202 = vector.broadcast %broadcast_in_dim3A_201 : f32 to vector<16xf32>
    %swap3A_203 = arith.constant 400 : index
    %swap3A_204 = tpu.vector_load %arg14[%swap3A_203] {strides = array<i32>} : memref<640xf32, #tpu.memory_space<vmem>>, vector<16xf32>,
    %swap3A_205 = vector.shape_cast %swap3A_204 : vector<16xf32> to vector<16xf32>
    %swap3A_206 = vector.shape_cast %broadcast_in_dim3A_202 : vector<16xf32> to vector<16xf32>
    tpu.vector_store %arg14[%swap3A_203], %swap3A_206 {strides = array<i32>} : memref<640xf32, #tpu.memory_space<vmem>>, vector<16xf32>,
    %broadcast_in_dim3A_207 = arith.constant 0.000000e+00 : f32
    %broadcast_in_dim3A_208 = vector.broadcast %broadcast_in_dim3A_207 : f32 to vector<16xf32>
    %swap3A_209 = arith.constant 416 : index
    %swap3A_210 = tpu.vector_load %arg14[%swap3A_209] {strides = array<i32>} : memref<640xf32, #tpu.memory_space<vmem>>, vector<16xf32>,
    %swap3A_211 = vector.shape_cast %swap3A_210 : vector<16xf32> to vector<16xf32>
    %swap3A_212 = vector.shape_cast %broadcast_in_dim3A_208 : vector<16xf32> to vector<16xf32>
    tpu.vector_store %arg14[%swap3A_209], %swap3A_212 {strides = array<i32>} : memref<640xf32, #tpu.memory_space<vmem>>, vector<16xf32>,
    %broadcast_in_dim3A_213 = arith.constant 0.000000e+00 : f32
    %broadcast_in_dim3A_214 = vector.broadcast %broadcast_in_dim3A_213 : f32 to vector<16xf32>
    %swap3A_215 = arith.constant 432 : index
    %swap3A_216 = tpu.vector_load %arg14[%swap3A_215] {strides = array<i32>} : memref<640xf32, #tpu.memory_space<vmem>>, vector<16xf32>,
    %swap3A_217 = vector.shape_cast %swap3A_216 : vector<16xf32> to vector<16xf32>
    %swap3A_218 = vector.shape_cast %broadcast_in_dim3A_214 : vector<16xf32> to vector<16xf32>
    tpu.vector_store %arg14[%swap3A_215], %swap3A_218 {strides = array<i32>} : memref<640xf32, #tpu.memory_space<vmem>>, vector<16xf32>,
    %broadcast_in_dim3A_219 = arith.constant 0.000000e+00 : f32
    %broadcast_in_dim3A_220 = vector.broadcast %broadcast_in_dim3A_219 : f32 to vector<16xf32>
    %swap3A_221 = arith.constant 448 : index
    %swap3A_222 = tpu.vector_load %arg14[%swap3A_221] {strides = array<i32>} : memref<640xf32, #tpu.memory_space<vmem>>, vector<16xf32>,
    %swap3A_223 = vector.shape_cast %swap3A_222 : vector<16xf32> to vector<16xf32>
    %swap3A_224 = vector.shape_cast %broadcast_in_dim3A_220 : vector<16xf32> to vector<16xf32>
    tpu.vector_store %arg14[%swap3A_221], %swap3A_224 {strides = array<i32>} : memref<640xf32, #tpu.memory_space<vmem>>, vector<16xf32>,
    %broadcast_in_dim3A_225 = arith.constant 0.000000e+00 : f32
    %broadcast_in_dim3A_226 = vector.broadcast %broadcast_in_dim3A_225 : f32 to vector<16xf32>
    %swap3A_227 = arith.constant 464 : index
    %swap3A_228 = tpu.vector_load %arg14[%swap3A_227] {strides = array<i32>} : memref<640xf32, #tpu.memory_space<vmem>>, vector<16xf32>,
    %swap3A_229 = vector.shape_cast %swap3A_228 : vector<16xf32> to vector<16xf32>
    %swap3A_230 = vector.shape_cast %broadcast_in_dim3A_226 : vector<16xf32> to vector<16xf32>
    tpu.vector_store %arg14[%swap3A_227], %swap3A_230 {strides = array<i32>} : memref<640xf32, #tpu.memory_space<vmem>>, vector<16xf32>,
    %broadcast_in_dim3A_231 = arith.constant 0.000000e+00 : f32
    %broadcast_in_dim3A_232 = vector.broadcast %broadcast_in_dim3A_231 : f32 to vector<16xf32>
    %swap3A_233 = arith.constant 480 : index
    %swap3A_234 = tpu.vector_load %arg14[%swap3A_233] {strides = array<i32>} : memref<640xf32, #tpu.memory_space<vmem>>, vector<16xf32>,
    %swap3A_235 = vector.shape_cast %swap3A_234 : vector<16xf32> to vector<16xf32>
    %swap3A_236 = vector.shape_cast %broadcast_in_dim3A_232 : vector<16xf32> to vector<16xf32>
    tpu.vector_store %arg14[%swap3A_233], %swap3A_236 {strides = array<i32>} : memref<640xf32, #tpu.memory_space<vmem>>, vector<16xf32>,
    %broadcast_in_dim3A_237 = arith.constant 0.000000e+00 : f32
    %broadcast_in_dim3A_238 = vector.broadcast %broadcast_in_dim3A_237 : f32 to vector<16xf32>
    %swap3A_239 = arith.constant 496 : index
    %swap3A_240 = tpu.vector_load %arg14[%swap3A_239] {strides = array<i32>} : memref<640xf32, #tpu.memory_space<vmem>>, vector<16xf32>,
    %swap3A_241 = vector.shape_cast %swap3A_240 : vector<16xf32> to vector<16xf32>
    %swap3A_242 = vector.shape_cast %broadcast_in_dim3A_238 : vector<16xf32> to vector<16xf32>
    tpu.vector_store %arg14[%swap3A_239], %swap3A_242 {strides = array<i32>} : memref<640xf32, #tpu.memory_space<vmem>>, vector<16xf32>,
    %broadcast_in_dim3A_243 = arith.constant 0.000000e+00 : f32
    %broadcast_in_dim3A_244 = vector.broadcast %broadcast_in_dim3A_243 : f32 to vector<16xf32>
    %swap3A_245 = arith.constant 512 : index
    %swap3A_246 = tpu.vector_load %arg14[%swap3A_245] {strides = array<i32>} : memref<640xf32, #tpu.memory_space<vmem>>, vector<16xf32>,
    %swap3A_247 = vector.shape_cast %swap3A_246 : vector<16xf32> to vector<16xf32>
    %swap3A_248 = vector.shape_cast %broadcast_in_dim3A_244 : vector<16xf32> to vector<16xf32>
    tpu.vector_store %arg14[%swap3A_245], %swap3A_248 {strides = array<i32>} : memref<640xf32, #tpu.memory_space<vmem>>, vector<16xf32>,
    %broadcast_in_dim3A_249 = arith.constant 0.000000e+00 : f32
    %broadcast_in_dim3A_250 = vector.broadcast %broadcast_in_dim3A_249 : f32 to vector<16xf32>
    %swap3A_251 = arith.constant 528 : index
    %swap3A_252 = tpu.vector_load %arg14[%swap3A_251] {strides = array<i32>} : memref<640xf32, #tpu.memory_space<vmem>>, vector<16xf32>,
    %swap3A_253 = vector.shape_cast %swap3A_252 : vector<16xf32> to vector<16xf32>
    %swap3A_254 = vector.shape_cast %broadcast_in_dim3A_250 : vector<16xf32> to vector<16xf32>
    tpu.vector_store %arg14[%swap3A_251], %swap3A_254 {strides = array<i32>} : memref<640xf32, #tpu.memory_space<vmem>>, vector<16xf32>,
    %broadcast_in_dim3A_255 = arith.constant 0.000000e+00 : f32
    %broadcast_in_dim3A_256 = vector.broadcast %broadcast_in_dim3A_255 : f32 to vector<16xf32>
    %swap3A_257 = arith.constant 544 : index
    %swap3A_258 = tpu.vector_load %arg14[%swap3A_257] {strides = array<i32>} : memref<640xf32, #tpu.memory_space<vmem>>, vector<16xf32>,
    %swap3A_259 = vector.shape_cast %swap3A_258 : vector<16xf32> to vector<16xf32>
    %swap3A_260 = vector.shape_cast %broadcast_in_dim3A_256 : vector<16xf32> to vector<16xf32>
    tpu.vector_store %arg14[%swap3A_257], %swap3A_260 {strides = array<i32>} : memref<640xf32, #tpu.memory_space<vmem>>, vector<16xf32>,
    %broadcast_in_dim3A_261 = arith.constant 0.000000e+00 : f32
    %broadcast_in_dim3A_262 = vector.broadcast %broadcast_in_dim3A_261 : f32 to vector<16xf32>
    %swap3A_263 = arith.constant 560 : index
    %swap3A_264 = tpu.vector_load %arg14[%swap3A_263] {strides = array<i32>} : memref<640xf32, #tpu.memory_space<vmem>>, vector<16xf32>,
    %swap3A_265 = vector.shape_cast %swap3A_264 : vector<16xf32> to vector<16xf32>
    %swap3A_266 = vector.shape_cast %broadcast_in_dim3A_262 : vector<16xf32> to vector<16xf32>
    tpu.vector_store %arg14[%swap3A_263], %swap3A_266 {strides = array<i32>} : memref<640xf32, #tpu.memory_space<vmem>>, vector<16xf32>,
    %broadcast_in_dim3A_267 = arith.constant 0.000000e+00 : f32
    %broadcast_in_dim3A_268 = vector.broadcast %broadcast_in_dim3A_267 : f32 to vector<16xf32>
    %swap3A_269 = arith.constant 576 : index
    %swap3A_270 = tpu.vector_load %arg14[%swap3A_269] {strides = array<i32>} : memref<640xf32, #tpu.memory_space<vmem>>, vector<16xf32>,
    %swap3A_271 = vector.shape_cast %swap3A_270 : vector<16xf32> to vector<16xf32>
    %swap3A_272 = vector.shape_cast %broadcast_in_dim3A_268 : vector<16xf32> to vector<16xf32>
    tpu.vector_store %arg14[%swap3A_269], %swap3A_272 {strides = array<i32>} : memref<640xf32, #tpu.memory_space<vmem>>, vector<16xf32>,
    %broadcast_in_dim3A_273 = arith.constant 0.000000e+00 : f32
    %broadcast_in_dim3A_274 = vector.broadcast %broadcast_in_dim3A_273 : f32 to vector<16xf32>
    %swap3A_275 = arith.constant 592 : index
    %swap3A_276 = tpu.vector_load %arg14[%swap3A_275] {strides = array<i32>} : memref<640xf32, #tpu.memory_space<vmem>>, vector<16xf32>,
    %swap3A_277 = vector.shape_cast %swap3A_276 : vector<16xf32> to vector<16xf32>
    %swap3A_278 = vector.shape_cast %broadcast_in_dim3A_274 : vector<16xf32> to vector<16xf32>
    tpu.vector_store %arg14[%swap3A_275], %swap3A_278 {strides = array<i32>} : memref<640xf32, #tpu.memory_space<vmem>>, vector<16xf32>,
    %broadcast_in_dim3A_279 = arith.constant 0.000000e+00 : f32
    %broadcast_in_dim3A_280 = vector.broadcast %broadcast_in_dim3A_279 : f32 to vector<16xf32>
    %swap3A_281 = arith.constant 608 : index
    %swap3A_282 = tpu.vector_load %arg14[%swap3A_281] {strides = array<i32>} : memref<640xf32, #tpu.memory_space<vmem>>, vector<16xf32>,
    %swap3A_283 = vector.shape_cast %swap3A_282 : vector<16xf32> to vector<16xf32>
    %swap3A_284 = vector.shape_cast %broadcast_in_dim3A_280 : vector<16xf32> to vector<16xf32>
    tpu.vector_store %arg14[%swap3A_281], %swap3A_284 {strides = array<i32>} : memref<640xf32, #tpu.memory_space<vmem>>, vector<16xf32>,
    %broadcast_in_dim3A_285 = arith.constant 0.000000e+00 : f32
    %broadcast_in_dim3A_286 = vector.broadcast %broadcast_in_dim3A_285 : f32 to vector<16xf32>
    %swap3A_287 = arith.constant 624 : index
    %swap3A_288 = tpu.vector_load %arg14[%swap3A_287] {strides = array<i32>} : memref<640xf32, #tpu.memory_space<vmem>>, vector<16xf32>,
    %swap3A_289 = vector.shape_cast %swap3A_288 : vector<16xf32> to vector<16xf32>
    %swap3A_290 = vector.shape_cast %broadcast_in_dim3A_286 : vector<16xf32> to vector<16xf32>
    tpu.vector_store %arg14[%swap3A_287], %swap3A_290 {strides = array<i32>} : memref<640xf32, #tpu.memory_space<vmem>>, vector<16xf32>,
    %lt3A_291 = arith.constant 15 : i32
    %lt3A_292 = arith.cmpi slt, %arg1, %lt3A_291 : i32
    %convert_element_type3A_293 = arith.extui %lt3A_292 : i1 to i32
    %cond3A_294 = arith.constant 0 : i32
    %cond3A_295 = arith.cmpi ne, %convert_element_type3A_293, %cond3A_294 : i32
    scf.if %cond3A_295 {
      "tpu.region"() ({
        %run_scoped3A = tpu.sem_alloc : memref<!tpu.dma_semaphore, #tpu.memory_space<semaphore_mem>>
        %dma_start3A_360 = tpu.memref_slice %arg16[%mul3A_2] : memref<10000xf32, #tpu.memory_space<vmem_shared>> -> memref<640xf32, #tpu.memory_space<vmem_shared>>
        %dma_start3A_361 = tpu.memref_slice %arg16[%mul3A_2] : memref<10000xf32, #tpu.memory_space<vmem_shared>> -> memref<640xf32, #tpu.memory_space<vmem_shared>>
        tpu.enqueue_dma source(%arg14 : memref<640xf32, #tpu.memory_space<vmem>>) target(%dma_start3A_361 : memref<640xf32, #tpu.memory_space<vmem_shared>>) target_semaphore(%run_scoped3A : memref<!tpu.dma_semaphore, #tpu.memory_space<semaphore_mem>>)
        %dma_wait3A_362 = tpu.memref_slice %arg16[%mul3A_2] : memref<10000xf32, #tpu.memory_space<vmem_shared>> -> memref<640xf32, #tpu.memory_space<vmem_shared>>
        %dma_wait3A_363 = tpu.memref_slice %arg16[%mul3A_2] : memref<10000xf32, #tpu.memory_space<vmem_shared>> -> memref<640xf32, #tpu.memory_space<vmem_shared>>
        tpu.wait_dma2 semaphore(%run_scoped3A : memref<!tpu.dma_semaphore, #tpu.memory_space<semaphore_mem>>) src(%arg14 : memref<640xf32, #tpu.memory_space<vmem>>) dst(%dma_wait3A_363 : memref<640xf32, #tpu.memory_space<vmem_shared>>)
        tpu.yield
      }) : () -> ()
    } else {
    }
    %eq3A_296 = arith.constant 15 : i32
    %eq3A_297 = arith.cmpi eq, %arg1, %eq3A_296 : i32
    %convert_element_type3A_298 = arith.extui %eq3A_297 : i1 to i32
    %cond3A_299 = arith.constant 0 : i32
    %cond3A_300 = arith.cmpi ne, %convert_element_type3A_298, %cond3A_299 : i32
    scf.if %cond3A_300 {
      "tpu.region"() ({
        %run_scoped3A = tpu.sem_alloc : memref<!tpu.dma_semaphore, #tpu.memory_space<semaphore_mem>>
        %dma_start3A_360 = arith.constant 0 : i32
        %dma_start3A_361 = tpu.memref_slice %arg14[%dma_start3A_360] : memref<640xf32, #tpu.memory_space<vmem>> -> memref<400xf32, #tpu.memory_space<vmem>>
        %dma_start3A_362 = tpu.memref_slice %arg16[%mul3A_2] : memref<10000xf32, #tpu.memory_space<vmem_shared>> -> memref<400xf32, #tpu.memory_space<vmem_shared>>
        %dma_start3A_363 = tpu.memref_slice %arg16[%mul3A_2] : memref<10000xf32, #tpu.memory_space<vmem_shared>> -> memref<400xf32, #tpu.memory_space<vmem_shared>>
        %dma_start3A_364 = arith.constant 0 : i32
        %dma_start3A_365 = tpu.memref_slice %arg14[%dma_start3A_364] : memref<640xf32, #tpu.memory_space<vmem>> -> memref<400xf32, #tpu.memory_space<vmem>>
        tpu.enqueue_dma source(%dma_start3A_365 : memref<400xf32, #tpu.memory_space<vmem>>) target(%dma_start3A_363 : memref<400xf32, #tpu.memory_space<vmem_shared>>) target_semaphore(%run_scoped3A : memref<!tpu.dma_semaphore, #tpu.memory_space<semaphore_mem>>)
        %dma_wait3A_366 = arith.constant 0 : i32
        %dma_wait3A_367 = tpu.memref_slice %arg14[%dma_wait3A_366] : memref<640xf32, #tpu.memory_space<vmem>> -> memref<400xf32, #tpu.memory_space<vmem>>
        %dma_wait3A_368 = tpu.memref_slice %arg16[%mul3A_2] : memref<10000xf32, #tpu.memory_space<vmem_shared>> -> memref<400xf32, #tpu.memory_space<vmem_shared>>
        %dma_wait3A_369 = tpu.memref_slice %arg16[%mul3A_2] : memref<10000xf32, #tpu.memory_space<vmem_shared>> -> memref<400xf32, #tpu.memory_space<vmem_shared>>
        %dma_wait3A_370 = arith.constant 0 : i32
        %dma_wait3A_371 = tpu.memref_slice %arg14[%dma_wait3A_370] : memref<640xf32, #tpu.memory_space<vmem>> -> memref<400xf32, #tpu.memory_space<vmem>>
        tpu.wait_dma2 semaphore(%run_scoped3A : memref<!tpu.dma_semaphore, #tpu.memory_space<semaphore_mem>>) src(%dma_wait3A_371 : memref<400xf32, #tpu.memory_space<vmem>>) dst(%dma_wait3A_369 : memref<400xf32, #tpu.memory_space<vmem_shared>>)
        tpu.yield
      }) : () -> ()
    } else {
    }
    %dma_wait3A = arith.constant 0 : i32
    %dma_wait3A_301 = arith.constant 0 : i32
    %dma_wait3A_302 = tpu.memref_slice %arg3[%add3A, %dma_wait3A, %dma_wait3A_301] : memref<32x125x80xi32, #tpu.memory_space<hbm>> -> memref<1x125x80xi32, #tpu.memory_space<hbm>>
    %dma_wait3A_303 = tpu.memref_squeeze %dma_wait3A_302 : memref<1x125x80xi32, #tpu.memory_space<hbm>> -> memref<125x80xi32, #tpu.memory_space<hbm>>
    %dma_wait3A_304 = arith.constant 0 : i32
    %dma_wait3A_305 = arith.constant 0 : i32
    %dma_wait3A_306 = tpu.memref_slice %arg3[%add3A, %dma_wait3A_304, %dma_wait3A_305] : memref<32x125x80xi32, #tpu.memory_space<hbm>> -> memref<1x125x80xi32, #tpu.memory_space<hbm>>
    %dma_wait3A_307 = tpu.memref_squeeze %dma_wait3A_306 : memref<1x125x80xi32, #tpu.memory_space<hbm>> -> memref<125x80xi32, #tpu.memory_space<hbm>>
    tpu.wait_dma2 semaphore(%arg24 : memref<!tpu.dma_semaphore, #tpu.memory_space<semaphore_mem>>) src(%dma_wait3A_307 : memref<125x80xi32, #tpu.memory_space<hbm>>) dst(%arg8 : memref<125x80xi32, #tpu.memory_space<vmem>>)
    %dma_start3A_308 = arith.constant 0 : i32
    %dma_start3A_309 = arith.constant 0 : i32
    %dma_start3A_310 = tpu.memref_slice %arg8[%dma_start3A_308, %dma_start3A_309] : memref<125x80xi32, #tpu.memory_space<vmem>> -> memref<1x80xi32, #tpu.memory_space<vmem>>
    %dma_start3A_311 = tpu.memref_squeeze %dma_start3A_310 : memref<1x80xi32, #tpu.memory_space<vmem>> -> memref<80xi32, #tpu.memory_space<vmem>>
    %dma_start3A_312 = arith.constant 0 : i32
    %dma_start3A_313 = arith.constant 0 : i32
    %dma_start3A_314 = tpu.memref_slice %arg2[%dma_start3A_312, %dma_start3A_313] : memref<10000x128xf32, #tpu.memory_space<hbm>> -> memref<10000x128xf32, #tpu.memory_space<hbm>>
    tpu.enqueue_indirect_dma source(%dma_start3A_314 : memref<10000x128xf32, #tpu.memory_space<hbm>>) target(%arg11 : memref<80x128xf32, #tpu.memory_space<vmem>>) offsets(%dma_start3A_311 : memref<80xi32, #tpu.memory_space<vmem>>) semaphore(%arg17 : memref<!tpu.dma_semaphore, #tpu.memory_space<semaphore_mem>>)
    %barrier3A = arith.constant 0 : index
    tpu.barrier barrier_id(%barrier3A)
    %scan3A = arith.constant 0 : i32
    %scan3A_315 = arith.constant 0 : i32
    %scan3A_316 = arith.constant 62 : i32
    %scan3A_317 = arith.addi %scan3A_315, %scan3A_316 : i32
    %scan3A_318 = arith.constant 1 : i32
    scf.for %scan3A_360 = %scan3A_315 to %scan3A_317 step %scan3A_318  : i32 {
      %mul3A_361 = arith.constant 2 : i32
      %mul3A_362 = arith.muli %scan3A_360, %mul3A_361 : i32
      %add3A_363 = arith.constant 0 : i32
      %add3A_364 = arith.addi %mul3A_362, %add3A_363 : i32
      %ge3A = arith.constant 1 : i32
      %ge3A_365 = arith.cmpi sge, %add3A_364, %ge3A : i32
      %convert_element_type3A_366 = arith.extui %ge3A_365 : i1 to i32
      %cond3A_367 = arith.constant 0 : i32
      %cond3A_368 = arith.cmpi ne, %convert_element_type3A_366, %cond3A_367 : i32
      scf.if %cond3A_368 {
        %dma_wait3A_428 = arith.constant 0 : i32
        %dma_wait3A_429 = arith.constant 0 : i32
        %dma_wait3A_430 = tpu.memref_slice %arg15[%dma_wait3A_428, %dma_wait3A_429] : memref<10000x128xf32, #tpu.memory_space<vmem_shared>> -> memref<10000x128xf32, #tpu.memory_space<vmem_shared>>
        tpu.wait_indirect_dma semaphore(%arg20 : memref<!tpu.dma_semaphore, #tpu.memory_space<semaphore_mem>>) src(%arg12 : memref<80x128xf32, #tpu.memory_space<vmem>>) dst(%dma_wait3A_430 : memref<10000x128xf32, #tpu.memory_space<vmem_shared>>)
        %dma_wait3A_431 = arith.constant 0 : i32
        %dma_wait3A_432 = tpu.memref_slice %arg16[%dma_wait3A_431] : memref<10000xf32, #tpu.memory_space<vmem_shared>> -> memref<10000xf32, #tpu.memory_space<vmem_shared>>
        tpu.wait_indirect_dma semaphore(%arg23 : memref<!tpu.dma_semaphore, #tpu.memory_space<semaphore_mem>>) src(%arg13 : memref<80xf32, #tpu.memory_space<vmem>>) dst(%dma_wait3A_432 : memref<10000xf32, #tpu.memory_space<vmem_shared>>)
      } else {
      }
      %add3A_369 = arith.constant 1 : i32
      %add3A_370 = arith.addi %add3A_364, %add3A_369 : i32
      %lt3A_371 = arith.constant 125 : i32
      %lt3A_372 = arith.cmpi slt, %add3A_370, %lt3A_371 : i32
      %convert_element_type3A_373 = arith.extui %lt3A_372 : i1 to i32
      %cond3A_374 = arith.constant 0 : i32
      %cond3A_375 = arith.cmpi ne, %convert_element_type3A_373, %cond3A_374 : i32
      scf.if %cond3A_375 {
        %add3A_428 = arith.constant 1 : i32
        %add3A_429 = arith.addi %add3A_364, %add3A_428 : i32
        %dma_start3A_430 = arith.constant 0 : i32
        %dma_start3A_431 = tpu.memref_slice %arg8[%add3A_429, %dma_start3A_430] : memref<125x80xi32, #tpu.memory_space<vmem>> -> memref<1x80xi32, #tpu.memory_space<vmem>>
        %dma_start3A_432 = tpu.memref_squeeze %dma_start3A_431 : memref<1x80xi32, #tpu.memory_space<vmem>> -> memref<80xi32, #tpu.memory_space<vmem>>
        %dma_start3A_433 = arith.constant 0 : i32
        %dma_start3A_434 = arith.constant 0 : i32
        %dma_start3A_435 = tpu.memref_slice %arg2[%dma_start3A_433, %dma_start3A_434] : memref<10000x128xf32, #tpu.memory_space<hbm>> -> memref<10000x128xf32, #tpu.memory_space<hbm>>
        tpu.enqueue_indirect_dma source(%dma_start3A_435 : memref<10000x128xf32, #tpu.memory_space<hbm>>) target(%arg12 : memref<80x128xf32, #tpu.memory_space<vmem>>) offsets(%dma_start3A_432 : memref<80xi32, #tpu.memory_space<vmem>>) semaphore(%arg18 : memref<!tpu.dma_semaphore, #tpu.memory_space<semaphore_mem>>)
        %add3A_436 = arith.constant 1 : i32
        %add3A_437 = arith.addi %add3A_364, %add3A_436 : i32
        %dma_start3A_438 = arith.constant 0 : i32
        %dma_start3A_439 = tpu.memref_slice %arg4[%add3A, %add3A_437, %dma_start3A_438] : memref<32x125x80xi32, #tpu.memory_space<hbm>> -> memref<1x1x80xi32, #tpu.memory_space<hbm>>
        %dma_start3A_440 = tpu.memref_squeeze %dma_start3A_439 : memref<1x1x80xi32, #tpu.memory_space<hbm>> -> memref<80xi32, #tpu.memory_space<hbm>>
        %dma_start3A_441 = arith.constant 0 : i32
        %dma_start3A_442 = tpu.memref_slice %arg4[%add3A, %add3A_437, %dma_start3A_441] : memref<32x125x80xi32, #tpu.memory_space<hbm>> -> memref<1x1x80xi32, #tpu.memory_space<hbm>>
        %dma_start3A_443 = tpu.memref_squeeze %dma_start3A_442 : memref<1x1x80xi32, #tpu.memory_space<hbm>> -> memref<80xi32, #tpu.memory_space<hbm>>
        tpu.enqueue_dma source(%dma_start3A_443 : memref<80xi32, #tpu.memory_space<hbm>>) target(%arg10 : memref<80xi32, #tpu.memory_space<vmem>>) target_semaphore(%arg22 : memref<!tpu.dma_semaphore, #tpu.memory_space<semaphore_mem>>)
      } else {
      }
      %dma_wait3A_376 = arith.constant 0 : i32
      %dma_wait3A_377 = arith.constant 0 : i32
      %dma_wait3A_378 = tpu.memref_slice %arg8[%dma_wait3A_376, %dma_wait3A_377] : memref<125x80xi32, #tpu.memory_space<vmem>> -> memref<1x80xi32, #tpu.memory_space<vmem>>
      %dma_wait3A_379 = tpu.memref_squeeze %dma_wait3A_378 : memref<1x80xi32, #tpu.memory_space<vmem>> -> memref<80xi32, #tpu.memory_space<vmem>>
      %dma_wait3A_380 = arith.constant 0 : i32
      %dma_wait3A_381 = arith.constant 0 : i32
      %dma_wait3A_382 = tpu.memref_slice %arg2[%dma_wait3A_380, %dma_wait3A_381] : memref<10000x128xf32, #tpu.memory_space<hbm>> -> memref<10000x128xf32, #tpu.memory_space<hbm>>
      tpu.wait_indirect_dma semaphore(%arg17 : memref<!tpu.dma_semaphore, #tpu.memory_space<semaphore_mem>>) src(%dma_wait3A_382 : memref<10000x128xf32, #tpu.memory_space<hbm>>) dst(%arg11 : memref<80x128xf32, #tpu.memory_space<vmem>>)
      %dma_wait3A_383 = arith.constant 0 : i32
      %dma_wait3A_384 = arith.constant 0 : i32
      %dma_wait3A_385 = tpu.memref_slice %arg4[%add3A, %dma_wait3A_383, %dma_wait3A_384] : memref<32x125x80xi32, #tpu.memory_space<hbm>> -> memref<1x1x80xi32, #tpu.memory_space<hbm>>
      %dma_wait3A_386 = tpu.memref_squeeze %dma_wait3A_385 : memref<1x1x80xi32, #tpu.memory_space<hbm>> -> memref<80xi32, #tpu.memory_space<hbm>>
      %dma_wait3A_387 = arith.constant 0 : i32
      %dma_wait3A_388 = tpu.memref_slice %arg4[%add3A, %dma_wait3A_383, %dma_wait3A_387] : memref<32x125x80xi32, #tpu.memory_space<hbm>> -> memref<1x1x80xi32, #tpu.memory_space<hbm>>
      %dma_wait3A_389 = tpu.memref_squeeze %dma_wait3A_388 : memref<1x1x80xi32, #tpu.memory_space<hbm>> -> memref<80xi32, #tpu.memory_space<hbm>>
      tpu.wait_dma2 semaphore(%arg21 : memref<!tpu.dma_semaphore, #tpu.memory_space<semaphore_mem>>) src(%dma_wait3A_389 : memref<80xi32, #tpu.memory_space<hbm>>) dst(%arg9 : memref<80xi32, #tpu.memory_space<vmem>>)
      %dma_start3A_390 = arith.constant 0 : i32
      %dma_start3A_391 = arith.constant 0 : i32
      %dma_start3A_392 = tpu.memref_slice %arg15[%dma_start3A_390, %dma_start3A_391] : memref<10000x128xf32, #tpu.memory_space<vmem_shared>> -> memref<10000x128xf32, #tpu.memory_space<vmem_shared>>
      tpu.enqueue_indirect_dma source(%arg11 : memref<80x128xf32, #tpu.memory_space<vmem>>) target(%dma_start3A_392 : memref<10000x128xf32, #tpu.memory_space<vmem_shared>>) offsets(%arg9 : memref<80xi32, #tpu.memory_space<vmem>>) semaphore(%arg19 : memref<!tpu.dma_semaphore, #tpu.memory_space<semaphore_mem>>) {add = true}
      %dma_start3A_393 = arith.constant 0 : i32
      %dma_start3A_394 = tpu.memref_slice %arg16[%dma_start3A_393] : memref<10000xf32, #tpu.memory_space<vmem_shared>> -> memref<10000xf32, #tpu.memory_space<vmem_shared>>
      tpu.enqueue_indirect_dma source(%arg13 : memref<80xf32, #tpu.memory_space<vmem>>) target(%dma_start3A_394 : memref<10000xf32, #tpu.memory_space<vmem_shared>>) offsets(%arg9 : memref<80xi32, #tpu.memory_space<vmem>>) semaphore(%arg23 : memref<!tpu.dma_semaphore, #tpu.memory_space<semaphore_mem>>) {add = true}
      %add3A_395 = arith.constant 1 : i32
      %add3A_396 = arith.addi %mul3A_362, %add3A_395 : i32
      %ge3A_397 = arith.constant 1 : i32
      %ge3A_398 = arith.cmpi sge, %add3A_396, %ge3A_397 : i32
      %convert_element_type3A_399 = arith.extui %ge3A_398 : i1 to i32
      %cond3A_400 = arith.constant 0 : i32
      %cond3A_401 = arith.cmpi ne, %convert_element_type3A_399, %cond3A_400 : i32
      scf.if %cond3A_401 {
        %dma_wait3A_428 = arith.constant 0 : i32
        %dma_wait3A_429 = arith.constant 0 : i32
        %dma_wait3A_430 = tpu.memref_slice %arg15[%dma_wait3A_428, %dma_wait3A_429] : memref<10000x128xf32, #tpu.memory_space<vmem_shared>> -> memref<10000x128xf32, #tpu.memory_space<vmem_shared>>
        tpu.wait_indirect_dma semaphore(%arg19 : memref<!tpu.dma_semaphore, #tpu.memory_space<semaphore_mem>>) src(%arg11 : memref<80x128xf32, #tpu.memory_space<vmem>>) dst(%dma_wait3A_430 : memref<10000x128xf32, #tpu.memory_space<vmem_shared>>)
        %dma_wait3A_431 = arith.constant 0 : i32
        %dma_wait3A_432 = tpu.memref_slice %arg16[%dma_wait3A_431] : memref<10000xf32, #tpu.memory_space<vmem_shared>> -> memref<10000xf32, #tpu.memory_space<vmem_shared>>
        tpu.wait_indirect_dma semaphore(%arg23 : memref<!tpu.dma_semaphore, #tpu.memory_space<semaphore_mem>>) src(%arg13 : memref<80xf32, #tpu.memory_space<vmem>>) dst(%dma_wait3A_432 : memref<10000xf32, #tpu.memory_space<vmem_shared>>)
      } else {
      }
      %add3A_402 = arith.constant 1 : i32
      %add3A_403 = arith.addi %add3A_396, %add3A_402 : i32
      %lt3A_404 = arith.constant 125 : i32
      %lt3A_405 = arith.cmpi slt, %add3A_403, %lt3A_404 : i32
      %convert_element_type3A_406 = arith.extui %lt3A_405 : i1 to i32
      %cond3A_407 = arith.constant 0 : i32
      %cond3A_408 = arith.cmpi ne, %convert_element_type3A_406, %cond3A_407 : i32
      scf.if %cond3A_408 {
        %add3A_428 = arith.constant 1 : i32
        %add3A_429 = arith.addi %add3A_396, %add3A_428 : i32
        %dma_start3A_430 = arith.constant 0 : i32
        %dma_start3A_431 = tpu.memref_slice %arg8[%add3A_429, %dma_start3A_430] : memref<125x80xi32, #tpu.memory_space<vmem>> -> memref<1x80xi32, #tpu.memory_space<vmem>>
        %dma_start3A_432 = tpu.memref_squeeze %dma_start3A_431 : memref<1x80xi32, #tpu.memory_space<vmem>> -> memref<80xi32, #tpu.memory_space<vmem>>
        %dma_start3A_433 = arith.constant 0 : i32
        %dma_start3A_434 = arith.constant 0 : i32
        %dma_start3A_435 = tpu.memref_slice %arg2[%dma_start3A_433, %dma_start3A_434] : memref<10000x128xf32, #tpu.memory_space<hbm>> -> memref<10000x128xf32, #tpu.memory_space<hbm>>
        tpu.enqueue_indirect_dma source(%dma_start3A_435 : memref<10000x128xf32, #tpu.memory_space<hbm>>) target(%arg11 : memref<80x128xf32, #tpu.memory_space<vmem>>) offsets(%dma_start3A_432 : memref<80xi32, #tpu.memory_space<vmem>>) semaphore(%arg17 : memref<!tpu.dma_semaphore, #tpu.memory_space<semaphore_mem>>)
        %add3A_436 = arith.constant 1 : i32
        %add3A_437 = arith.addi %add3A_396, %add3A_436 : i32
        %dma_start3A_438 = arith.constant 0 : i32
        %dma_start3A_439 = tpu.memref_slice %arg4[%add3A, %add3A_437, %dma_start3A_438] : memref<32x125x80xi32, #tpu.memory_space<hbm>> -> memref<1x1x80xi32, #tpu.memory_space<hbm>>
        %dma_start3A_440 = tpu.memref_squeeze %dma_start3A_439 : memref<1x1x80xi32, #tpu.memory_space<hbm>> -> memref<80xi32, #tpu.memory_space<hbm>>
        %dma_start3A_441 = arith.constant 0 : i32
        %dma_start3A_442 = tpu.memref_slice %arg4[%add3A, %add3A_437, %dma_start3A_441] : memref<32x125x80xi32, #tpu.memory_space<hbm>> -> memref<1x1x80xi32, #tpu.memory_space<hbm>>
        %dma_start3A_443 = tpu.memref_squeeze %dma_start3A_442 : memref<1x1x80xi32, #tpu.memory_space<hbm>> -> memref<80xi32, #tpu.memory_space<hbm>>
        tpu.enqueue_dma source(%dma_start3A_443 : memref<80xi32, #tpu.memory_space<hbm>>) target(%arg9 : memref<80xi32, #tpu.memory_space<vmem>>) target_semaphore(%arg21 : memref<!tpu.dma_semaphore, #tpu.memory_space<semaphore_mem>>)
      } else {
      }
      %dma_wait3A_409 = arith.constant 0 : i32
      %dma_wait3A_410 = arith.constant 0 : i32
      %dma_wait3A_411 = tpu.memref_slice %arg8[%dma_wait3A_409, %dma_wait3A_410] : memref<125x80xi32, #tpu.memory_space<vmem>> -> memref<1x80xi32, #tpu.memory_space<vmem>>
      %dma_wait3A_412 = tpu.memref_squeeze %dma_wait3A_411 : memref<1x80xi32, #tpu.memory_space<vmem>> -> memref<80xi32, #tpu.memory_space<vmem>>
      %dma_wait3A_413 = arith.constant 0 : i32
      %dma_wait3A_414 = arith.constant 0 : i32
      %dma_wait3A_415 = tpu.memref_slice %arg2[%dma_wait3A_413, %dma_wait3A_414] : memref<10000x128xf32, #tpu.memory_space<hbm>> -> memref<10000x128xf32, #tpu.memory_space<hbm>>
      tpu.wait_indirect_dma semaphore(%arg18 : memref<!tpu.dma_semaphore, #tpu.memory_space<semaphore_mem>>) src(%dma_wait3A_415 : memref<10000x128xf32, #tpu.memory_space<hbm>>) dst(%arg12 : memref<80x128xf32, #tpu.memory_space<vmem>>)
      %dma_wait3A_416 = arith.constant 0 : i32
      %dma_wait3A_417 = arith.constant 0 : i32
      %dma_wait3A_418 = tpu.memref_slice %arg4[%add3A, %dma_wait3A_416, %dma_wait3A_417] : memref<32x125x80xi32, #tpu.memory_space<hbm>> -> memref<1x1x80xi32, #tpu.memory_space<hbm>>
      %dma_wait3A_419 = tpu.memref_squeeze %dma_wait3A_418 : memref<1x1x80xi32, #tpu.memory_space<hbm>> -> memref<80xi32, #tpu.memory_space<hbm>>
      %dma_wait3A_420 = arith.constant 0 : i32
      %dma_wait3A_421 = tpu.memref_slice %arg4[%add3A, %dma_wait3A_416, %dma_wait3A_420] : memref<32x125x80xi32, #tpu.memory_space<hbm>> -> memref<1x1x80xi32, #tpu.memory_space<hbm>>
      %dma_wait3A_422 = tpu.memref_squeeze %dma_wait3A_421 : memref<1x1x80xi32, #tpu.memory_space<hbm>> -> memref<80xi32, #tpu.memory_space<hbm>>
      tpu.wait_dma2 semaphore(%arg22 : memref<!tpu.dma_semaphore, #tpu.memory_space<semaphore_mem>>) src(%dma_wait3A_422 : memref<80xi32, #tpu.memory_space<hbm>>) dst(%arg10 : memref<80xi32, #tpu.memory_space<vmem>>)
      %dma_start3A_423 = arith.constant 0 : i32
      %dma_start3A_424 = arith.constant 0 : i32
      %dma_start3A_425 = tpu.memref_slice %arg15[%dma_start3A_423, %dma_start3A_424] : memref<10000x128xf32, #tpu.memory_space<vmem_shared>> -> memref<10000x128xf32, #tpu.memory_space<vmem_shared>>
      tpu.enqueue_indirect_dma source(%arg12 : memref<80x128xf32, #tpu.memory_space<vmem>>) target(%dma_start3A_425 : memref<10000x128xf32, #tpu.memory_space<vmem_shared>>) offsets(%arg10 : memref<80xi32, #tpu.memory_space<vmem>>) semaphore(%arg20 : memref<!tpu.dma_semaphore, #tpu.memory_space<semaphore_mem>>) {add = true}
      %dma_start3A_426 = arith.constant 0 : i32
      %dma_start3A_427 = tpu.memref_slice %arg16[%dma_start3A_426] : memref<10000xf32, #tpu.memory_space<vmem_shared>> -> memref<10000xf32, #tpu.memory_space<vmem_shared>>
      tpu.enqueue_indirect_dma source(%arg13 : memref<80xf32, #tpu.memory_space<vmem>>) target(%dma_start3A_427 : memref<10000xf32, #tpu.memory_space<vmem_shared>>) offsets(%arg10 : memref<80xi32, #tpu.memory_space<vmem>>) semaphore(%arg23 : memref<!tpu.dma_semaphore, #tpu.memory_space<semaphore_mem>>) {add = true}
    }
    %scan3A_319 = arith.constant 62 : i32
    %dma_wait3A_320 = arith.constant 0 : i32
    %dma_wait3A_321 = arith.constant 0 : i32
    %dma_wait3A_322 = tpu.memref_slice %arg15[%dma_wait3A_320, %dma_wait3A_321] : memref<10000x128xf32, #tpu.memory_space<vmem_shared>> -> memref<10000x128xf32, #tpu.memory_space<vmem_shared>>
    tpu.wait_indirect_dma semaphore(%arg20 : memref<!tpu.dma_semaphore, #tpu.memory_space<semaphore_mem>>) src(%arg12 : memref<80x128xf32, #tpu.memory_space<vmem>>) dst(%dma_wait3A_322 : memref<10000x128xf32, #tpu.memory_space<vmem_shared>>)
    %dma_wait3A_323 = arith.constant 0 : i32
    %dma_wait3A_324 = tpu.memref_slice %arg16[%dma_wait3A_323] : memref<10000xf32, #tpu.memory_space<vmem_shared>> -> memref<10000xf32, #tpu.memory_space<vmem_shared>>
    tpu.wait_indirect_dma semaphore(%arg23 : memref<!tpu.dma_semaphore, #tpu.memory_space<semaphore_mem>>) src(%arg13 : memref<80xf32, #tpu.memory_space<vmem>>) dst(%dma_wait3A_324 : memref<10000xf32, #tpu.memory_space<vmem_shared>>)
    %dma_wait3A_325 = arith.constant 0 : i32
    %dma_wait3A_326 = arith.constant 0 : i32
    %dma_wait3A_327 = tpu.memref_slice %arg8[%dma_wait3A_325, %dma_wait3A_326] : memref<125x80xi32, #tpu.memory_space<vmem>> -> memref<1x80xi32, #tpu.memory_space<vmem>>
    %dma_wait3A_328 = tpu.memref_squeeze %dma_wait3A_327 : memref<1x80xi32, #tpu.memory_space<vmem>> -> memref<80xi32, #tpu.memory_space<vmem>>
    %dma_wait3A_329 = arith.constant 0 : i32
    %dma_wait3A_330 = arith.constant 0 : i32
    %dma_wait3A_331 = tpu.memref_slice %arg2[%dma_wait3A_329, %dma_wait3A_330] : memref<10000x128xf32, #tpu.memory_space<hbm>> -> memref<10000x128xf32, #tpu.memory_space<hbm>>
    tpu.wait_indirect_dma semaphore(%arg17 : memref<!tpu.dma_semaphore, #tpu.memory_space<semaphore_mem>>) src(%dma_wait3A_331 : memref<10000x128xf32, #tpu.memory_space<hbm>>) dst(%arg11 : memref<80x128xf32, #tpu.memory_space<vmem>>)
    %dma_wait3A_332 = arith.constant 0 : i32
    %dma_wait3A_333 = arith.constant 0 : i32
    %dma_wait3A_334 = tpu.memref_slice %arg4[%add3A, %dma_wait3A_332, %dma_wait3A_333] : memref<32x125x80xi32, #tpu.memory_space<hbm>> -> memref<1x1x80xi32, #tpu.memory_space<hbm>>
    %dma_wait3A_335 = tpu.memref_squeeze %dma_wait3A_334 : memref<1x1x80xi32, #tpu.memory_space<hbm>> -> memref<80xi32, #tpu.memory_space<hbm>>
    %dma_wait3A_336 = arith.constant 0 : i32
    %dma_wait3A_337 = tpu.memref_slice %arg4[%add3A, %dma_wait3A_332, %dma_wait3A_336] : memref<32x125x80xi32, #tpu.memory_space<hbm>> -> memref<1x1x80xi32, #tpu.memory_space<hbm>>
    %dma_wait3A_338 = tpu.memref_squeeze %dma_wait3A_337 : memref<1x1x80xi32, #tpu.memory_space<hbm>> -> memref<80xi32, #tpu.memory_space<hbm>>
    tpu.wait_dma2 semaphore(%arg21 : memref<!tpu.dma_semaphore, #tpu.memory_space<semaphore_mem>>) src(%dma_wait3A_338 : memref<80xi32, #tpu.memory_space<hbm>>) dst(%arg9 : memref<80xi32, #tpu.memory_space<vmem>>)
    %dma_start3A_339 = arith.constant 0 : i32
    %dma_start3A_340 = arith.constant 0 : i32
    %dma_start3A_341 = tpu.memref_slice %arg15[%dma_start3A_339, %dma_start3A_340] : memref<10000x128xf32, #tpu.memory_space<vmem_shared>> -> memref<10000x128xf32, #tpu.memory_space<vmem_shared>>
    tpu.enqueue_indirect_dma source(%arg11 : memref<80x128xf32, #tpu.memory_space<vmem>>) target(%dma_start3A_341 : memref<10000x128xf32, #tpu.memory_space<vmem_shared>>) offsets(%arg9 : memref<80xi32, #tpu.memory_space<vmem>>) semaphore(%arg19 : memref<!tpu.dma_semaphore, #tpu.memory_space<semaphore_mem>>) {add = true}
    %dma_start3A_342 = arith.constant 0 : i32
    %dma_start3A_343 = tpu.memref_slice %arg16[%dma_start3A_342] : memref<10000xf32, #tpu.memory_space<vmem_shared>> -> memref<10000xf32, #tpu.memory_space<vmem_shared>>
    tpu.enqueue_indirect_dma source(%arg13 : memref<80xf32, #tpu.memory_space<vmem>>) target(%dma_start3A_343 : memref<10000xf32, #tpu.memory_space<vmem_shared>>) offsets(%arg9 : memref<80xi32, #tpu.memory_space<vmem>>) semaphore(%arg23 : memref<!tpu.dma_semaphore, #tpu.memory_space<semaphore_mem>>) {add = true}
    %dma_wait3A_344 = arith.constant 0 : i32
    %dma_wait3A_345 = arith.constant 0 : i32
    %dma_wait3A_346 = tpu.memref_slice %arg15[%dma_wait3A_344, %dma_wait3A_345] : memref<10000x128xf32, #tpu.memory_space<vmem_shared>> -> memref<10000x128xf32, #tpu.memory_space<vmem_shared>>
    tpu.wait_indirect_dma semaphore(%arg19 : memref<!tpu.dma_semaphore, #tpu.memory_space<semaphore_mem>>) src(%arg11 : memref<80x128xf32, #tpu.memory_space<vmem>>) dst(%dma_wait3A_346 : memref<10000x128xf32, #tpu.memory_space<vmem_shared>>)
    %dma_wait3A_347 = arith.constant 0 : i32
    %dma_wait3A_348 = tpu.memref_slice %arg16[%dma_wait3A_347] : memref<10000xf32, #tpu.memory_space<vmem_shared>> -> memref<10000xf32, #tpu.memory_space<vmem_shared>>
    tpu.wait_indirect_dma semaphore(%arg23 : memref<!tpu.dma_semaphore, #tpu.memory_space<semaphore_mem>>) src(%arg13 : memref<80xf32, #tpu.memory_space<vmem>>) dst(%dma_wait3A_348 : memref<10000xf32, #tpu.memory_space<vmem_shared>>)
    %barrier3A_349 = arith.constant 0 : index
    tpu.barrier barrier_id(%barrier3A_349)
    %lt3A_350 = arith.constant 15 : i32
    %lt3A_351 = arith.cmpi slt, %arg1, %lt3A_350 : i32
    %convert_element_type3A_352 = arith.extui %lt3A_351 : i1 to i32
    %cond3A_353 = arith.constant 0 : i32
    %cond3A_354 = arith.cmpi ne, %convert_element_type3A_352, %cond3A_353 : i32
    scf.if %cond3A_354 {
      "tpu.region"() ({
        %run_scoped3A = tpu.sem_alloc : memref<!tpu.dma_semaphore, #tpu.memory_space<semaphore_mem>>
        %dma_start3A_363 = arith.constant 0 : i32
        %dma_start3A_364 = tpu.memref_slice %arg6[%arg0, %mul3A_2, %dma_start3A_363] : memref<2x10000x128xf32, #tpu.memory_space<hbm>> -> memref<1x640x128xf32, #tpu.memory_space<hbm>>
        %dma_start3A_365 = tpu.memref_squeeze %dma_start3A_364 : memref<1x640x128xf32, #tpu.memory_space<hbm>> -> memref<640x128xf32, #tpu.memory_space<hbm>>
        %dma_start3A_366 = arith.constant 0 : i32
        %dma_start3A_367 = tpu.memref_slice %arg15[%mul3A_2, %dma_start3A_366] : memref<10000x128xf32, #tpu.memory_space<vmem_shared>> -> memref<640x128xf32, #tpu.memory_space<vmem_shared>>
        tpu.enqueue_dma source(%dma_start3A_367 : memref<640x128xf32, #tpu.memory_space<vmem_shared>>) target(%dma_start3A_365 : memref<640x128xf32, #tpu.memory_space<hbm>>) target_semaphore(%run_scoped3A : memref<!tpu.dma_semaphore, #tpu.memory_space<semaphore_mem>>)
        %dma_wait3A_368 = arith.constant 0 : i32
        %dma_wait3A_369 = tpu.memref_slice %arg6[%arg0, %mul3A_2, %dma_wait3A_368] : memref<2x10000x128xf32, #tpu.memory_space<hbm>> -> memref<1x640x128xf32, #tpu.memory_space<hbm>>
        %dma_wait3A_370 = tpu.memref_squeeze %dma_wait3A_369 : memref<1x640x128xf32, #tpu.memory_space<hbm>> -> memref<640x128xf32, #tpu.memory_space<hbm>>
        %dma_wait3A_371 = arith.constant 0 : i32
        %dma_wait3A_372 = tpu.memref_slice %arg15[%mul3A_2, %dma_wait3A_371] : memref<10000x128xf32, #tpu.memory_space<vmem_shared>> -> memref<640x128xf32, #tpu.memory_space<vmem_shared>>
        tpu.wait_dma2 semaphore(%run_scoped3A : memref<!tpu.dma_semaphore, #tpu.memory_space<semaphore_mem>>) src(%dma_wait3A_372 : memref<640x128xf32, #tpu.memory_space<vmem_shared>>) dst(%dma_wait3A_370 : memref<640x128xf32, #tpu.memory_space<hbm>>)
        tpu.yield
      }) : () -> ()
      "tpu.region"() ({
        %run_scoped3A = tpu.sem_alloc : memref<!tpu.dma_semaphore, #tpu.memory_space<semaphore_mem>>
        %dma_start3A_363 = tpu.memref_slice %arg16[%mul3A_2] : memref<10000xf32, #tpu.memory_space<vmem_shared>> -> memref<640xf32, #tpu.memory_space<vmem_shared>>
        %dma_start3A_364 = tpu.memref_slice %arg16[%mul3A_2] : memref<10000xf32, #tpu.memory_space<vmem_shared>> -> memref<640xf32, #tpu.memory_space<vmem_shared>>
        tpu.enqueue_dma source(%dma_start3A_364 : memref<640xf32, #tpu.memory_space<vmem_shared>>) target(%arg14 : memref<640xf32, #tpu.memory_space<vmem>>) target_semaphore(%run_scoped3A : memref<!tpu.dma_semaphore, #tpu.memory_space<semaphore_mem>>)
        %dma_wait3A_365 = tpu.memref_slice %arg16[%mul3A_2] : memref<10000xf32, #tpu.memory_space<vmem_shared>> -> memref<640xf32, #tpu.memory_space<vmem_shared>>
        %dma_wait3A_366 = tpu.memref_slice %arg16[%mul3A_2] : memref<10000xf32, #tpu.memory_space<vmem_shared>> -> memref<640xf32, #tpu.memory_space<vmem_shared>>
        tpu.wait_dma2 semaphore(%run_scoped3A : memref<!tpu.dma_semaphore, #tpu.memory_space<semaphore_mem>>) src(%dma_wait3A_366 : memref<640xf32, #tpu.memory_space<vmem_shared>>) dst(%arg14 : memref<640xf32, #tpu.memory_space<vmem>>)
        tpu.yield
      }) : () -> ()
      %mul3A_360 = arith.constant 10000 : i32
      %mul3A_361 = arith.muli %arg0, %mul3A_360 : i32
      %add3A_362 = arith.addi %mul3A_361, %mul3A_2 : i32
      "tpu.region"() ({
        %run_scoped3A = tpu.sem_alloc : memref<!tpu.dma_semaphore, #tpu.memory_space<semaphore_mem>>
        %dma_start3A_363 = tpu.memref_slice %arg7[%add3A_362] : memref<20000xf32, #tpu.memory_space<hbm>> -> memref<640xf32, #tpu.memory_space<hbm>>
        %dma_start3A_364 = tpu.memref_slice %arg7[%add3A_362] : memref<20000xf32, #tpu.memory_space<hbm>> -> memref<640xf32, #tpu.memory_space<hbm>>
        tpu.enqueue_dma source(%arg14 : memref<640xf32, #tpu.memory_space<vmem>>) target(%dma_start3A_364 : memref<640xf32, #tpu.memory_space<hbm>>) target_semaphore(%run_scoped3A : memref<!tpu.dma_semaphore, #tpu.memory_space<semaphore_mem>>)
        %dma_wait3A_365 = tpu.memref_slice %arg7[%add3A_362] : memref<20000xf32, #tpu.memory_space<hbm>> -> memref<640xf32, #tpu.memory_space<hbm>>
        %dma_wait3A_366 = tpu.memref_slice %arg7[%add3A_362] : memref<20000xf32, #tpu.memory_space<hbm>> -> memref<640xf32, #tpu.memory_space<hbm>>
        tpu.wait_dma2 semaphore(%run_scoped3A : memref<!tpu.dma_semaphore, #tpu.memory_space<semaphore_mem>>) src(%arg14 : memref<640xf32, #tpu.memory_space<vmem>>) dst(%dma_wait3A_366 : memref<640xf32, #tpu.memory_space<hbm>>)
        tpu.yield
      }) : () -> ()
    } else {
    }
    %eq3A_355 = arith.constant 15 : i32
    %eq3A_356 = arith.cmpi eq, %arg1, %eq3A_355 : i32
    %convert_element_type3A_357 = arith.extui %eq3A_356 : i1 to i32
    %cond3A_358 = arith.constant 0 : i32
    %cond3A_359 = arith.cmpi ne, %convert_element_type3A_357, %cond3A_358 : i32
    scf.if %cond3A_359 {
      "tpu.region"() ({
        %run_scoped3A = tpu.sem_alloc : memref<!tpu.dma_semaphore, #tpu.memory_space<semaphore_mem>>
        %dma_start3A_363 = arith.constant 0 : i32
        %dma_start3A_364 = tpu.memref_slice %arg6[%arg0, %mul3A_2, %dma_start3A_363] : memref<2x10000x128xf32, #tpu.memory_space<hbm>> -> memref<1x400x128xf32, #tpu.memory_space<hbm>>
        %dma_start3A_365 = tpu.memref_squeeze %dma_start3A_364 : memref<1x400x128xf32, #tpu.memory_space<hbm>> -> memref<400x128xf32, #tpu.memory_space<hbm>>
        %dma_start3A_366 = arith.constant 0 : i32
        %dma_start3A_367 = tpu.memref_slice %arg15[%mul3A_2, %dma_start3A_366] : memref<10000x128xf32, #tpu.memory_space<vmem_shared>> -> memref<400x128xf32, #tpu.memory_space<vmem_shared>>
        tpu.enqueue_dma source(%dma_start3A_367 : memref<400x128xf32, #tpu.memory_space<vmem_shared>>) target(%dma_start3A_365 : memref<400x128xf32, #tpu.memory_space<hbm>>) target_semaphore(%run_scoped3A : memref<!tpu.dma_semaphore, #tpu.memory_space<semaphore_mem>>)
        %dma_wait3A_368 = arith.constant 0 : i32
        %dma_wait3A_369 = tpu.memref_slice %arg6[%arg0, %mul3A_2, %dma_wait3A_368] : memref<2x10000x128xf32, #tpu.memory_space<hbm>> -> memref<1x400x128xf32, #tpu.memory_space<hbm>>
        %dma_wait3A_370 = tpu.memref_squeeze %dma_wait3A_369 : memref<1x400x128xf32, #tpu.memory_space<hbm>> -> memref<400x128xf32, #tpu.memory_space<hbm>>
        %dma_wait3A_371 = arith.constant 0 : i32
        %dma_wait3A_372 = tpu.memref_slice %arg15[%mul3A_2, %dma_wait3A_371] : memref<10000x128xf32, #tpu.memory_space<vmem_shared>> -> memref<400x128xf32, #tpu.memory_space<vmem_shared>>
        tpu.wait_dma2 semaphore(%run_scoped3A : memref<!tpu.dma_semaphore, #tpu.memory_space<semaphore_mem>>) src(%dma_wait3A_372 : memref<400x128xf32, #tpu.memory_space<vmem_shared>>) dst(%dma_wait3A_370 : memref<400x128xf32, #tpu.memory_space<hbm>>)
        tpu.yield
      }) : () -> ()
      "tpu.region"() ({
        %run_scoped3A = tpu.sem_alloc : memref<!tpu.dma_semaphore, #tpu.memory_space<semaphore_mem>>
        %dma_start3A_363 = arith.constant 0 : i32
        %dma_start3A_364 = tpu.memref_slice %arg14[%dma_start3A_363] : memref<640xf32, #tpu.memory_space<vmem>> -> memref<400xf32, #tpu.memory_space<vmem>>
        %dma_start3A_365 = tpu.memref_slice %arg16[%mul3A_2] : memref<10000xf32, #tpu.memory_space<vmem_shared>> -> memref<400xf32, #tpu.memory_space<vmem_shared>>
        %dma_start3A_366 = arith.constant 0 : i32
        %dma_start3A_367 = tpu.memref_slice %arg14[%dma_start3A_366] : memref<640xf32, #tpu.memory_space<vmem>> -> memref<400xf32, #tpu.memory_space<vmem>>
        %dma_start3A_368 = tpu.memref_slice %arg16[%mul3A_2] : memref<10000xf32, #tpu.memory_space<vmem_shared>> -> memref<400xf32, #tpu.memory_space<vmem_shared>>
        tpu.enqueue_dma source(%dma_start3A_368 : memref<400xf32, #tpu.memory_space<vmem_shared>>) target(%dma_start3A_367 : memref<400xf32, #tpu.memory_space<vmem>>) target_semaphore(%run_scoped3A : memref<!tpu.dma_semaphore, #tpu.memory_space<semaphore_mem>>)
        %dma_wait3A_369 = arith.constant 0 : i32
        %dma_wait3A_370 = tpu.memref_slice %arg14[%dma_wait3A_369] : memref<640xf32, #tpu.memory_space<vmem>> -> memref<400xf32, #tpu.memory_space<vmem>>
        %dma_wait3A_371 = tpu.memref_slice %arg16[%mul3A_2] : memref<10000xf32, #tpu.memory_space<vmem_shared>> -> memref<400xf32, #tpu.memory_space<vmem_shared>>
        %dma_wait3A_372 = arith.constant 0 : i32
        %dma_wait3A_373 = tpu.memref_slice %arg14[%dma_wait3A_372] : memref<640xf32, #tpu.memory_space<vmem>> -> memref<400xf32, #tpu.memory_space<vmem>>
        %dma_wait3A_374 = tpu.memref_slice %arg16[%mul3A_2] : memref<10000xf32, #tpu.memory_space<vmem_shared>> -> memref<400xf32, #tpu.memory_space<vmem_shared>>
        tpu.wait_dma2 semaphore(%run_scoped3A : memref<!tpu.dma_semaphore, #tpu.memory_space<semaphore_mem>>) src(%dma_wait3A_374 : memref<400xf32, #tpu.memory_space<vmem_shared>>) dst(%dma_wait3A_373 : memref<400xf32, #tpu.memory_space<vmem>>)
        tpu.yield
      }) : () -> ()
      %mul3A_360 = arith.constant 10000 : i32
      %mul3A_361 = arith.muli %arg0, %mul3A_360 : i32
      %add3A_362 = arith.addi %mul3A_361, %mul3A_2 : i32
      "tpu.region"() ({
        %run_scoped3A = tpu.sem_alloc : memref<!tpu.dma_semaphore, #tpu.memory_space<semaphore_mem>>
        %dma_start3A_363 = arith.constant 0 : i32
        %dma_start3A_364 = tpu.memref_slice %arg14[%dma_start3A_363] : memref<640xf32, #tpu.memory_space<vmem>> -> memref<400xf32, #tpu.memory_space<vmem>>
        %dma_start3A_365 = tpu.memref_slice %arg7[%add3A_362] : memref<20000xf32, #tpu.memory_space<hbm>> -> memref<400xf32, #tpu.memory_space<hbm>>
        %dma_start3A_366 = tpu.memref_slice %arg7[%add3A_362] : memref<20000xf32, #tpu.memory_space<hbm>> -> memref<400xf32, #tpu.memory_space<hbm>>
        %dma_start3A_367 = arith.constant 0 : i32
        %dma_start3A_368 = tpu.memref_slice %arg14[%dma_start3A_367] : memref<640xf32, #tpu.memory_space<vmem>> -> memref<400xf32, #tpu.memory_space<vmem>>
        tpu.enqueue_dma source(%dma_start3A_368 : memref<400xf32, #tpu.memory_space<vmem>>) target(%dma_start3A_366 : memref<400xf32, #tpu.memory_space<hbm>>) target_semaphore(%run_scoped3A : memref<!tpu.dma_semaphore, #tpu.memory_space<semaphore_mem>>)
        %dma_wait3A_369 = arith.constant 0 : i32
        %dma_wait3A_370 = tpu.memref_slice %arg14[%dma_wait3A_369] : memref<640xf32, #tpu.memory_space<vmem>> -> memref<400xf32, #tpu.memory_space<vmem>>
        %dma_wait3A_371 = tpu.memref_slice %arg7[%add3A_362] : memref<20000xf32, #tpu.memory_space<hbm>> -> memref<400xf32, #tpu.memory_space<hbm>>
        %dma_wait3A_372 = tpu.memref_slice %arg7[%add3A_362] : memref<20000xf32, #tpu.memory_space<hbm>> -> memref<400xf32, #tpu.memory_space<hbm>>
        %dma_wait3A_373 = arith.constant 0 : i32
        %dma_wait3A_374 = tpu.memref_slice %arg14[%dma_wait3A_373] : memref<640xf32, #tpu.memory_space<vmem>> -> memref<400xf32, #tpu.memory_space<vmem>>
        tpu.wait_dma2 semaphore(%run_scoped3A : memref<!tpu.dma_semaphore, #tpu.memory_space<semaphore_mem>>) src(%dma_wait3A_374 : memref<400xf32, #tpu.memory_space<vmem>>) dst(%dma_wait3A_372 : memref<400xf32, #tpu.memory_space<hbm>>)
        tpu.yield
      }) : () -> ()
    } else {
    }
    return
  }
}

module attributes {stable_mosaic.version = 14 : i64} {
  func.func @_mm_body(%arg0: i32, %arg1: memref<1000x128xf32, #tpu.memory_space<vmem>>, %arg2: memref<128x128xf32, #tpu.memory_space<vmem>>, %arg3: memref<1000x128xf32, #tpu.memory_space<vmem>>) attributes {dimension_semantics = [#tpu.dimension_semantics<arbitrary>], iteration_bounds = array<i64: 10>, scalar_prefetch = 0 : i64, scratch_operands = 0 : i64, tpu.core_type = #tpu.core_type<tc>, window_params = [{transform_indices = @transform_0, window_bounds = array<i64: 1000, 128>}, {pipeline_mode = #tpu.pipeline_mode<synchronous>, transform_indices = @transform_1, window_bounds = array<i64: 128, 128>}, {transform_indices = @transform_2, window_bounds = array<i64: 1000, 128>}]} {
    %get3A = arith.constant 0 : index
    %get3A_0 = arith.constant 0 : index
    %get3A_1 = vector.load %arg1[%get3A, %get3A_0] : memref<1000x128xf32, #tpu.memory_space<vmem>>, vector<1000x128xf32>
    %get3A_2 = arith.constant 0 : index
    %get3A_3 = arith.constant 0 : index
    %get3A_4 = vector.load %arg2[%get3A_2, %get3A_3] : memref<128x128xf32, #tpu.memory_space<vmem>>, vector<128x128xf32>
    %dot_general3A = arith.constant dense<0.000000e+00> : vector<1000x128xf32>
    %dot_general3A_5 = tpu.matmul %get3A_1, %get3A_4, %dot_general3A {dimension_numbers = #tpu.dot_dimension_numbers<[1], [0], [0], [1], [0, 0, 1, 1], [], []>, transpose_lhs_hint = false} : vector<1000x128xf32>, vector<128x128xf32>, vector<1000x128xf32> -> vector<1000x128xf32>
    %swap3A = arith.constant 0 : index
    %swap3A_6 = arith.constant 0 : index
    %swap3A_7 = vector.load %arg3[%swap3A, %swap3A_6] : memref<1000x128xf32, #tpu.memory_space<vmem>>, vector<1000x128xf32>
    tpu.vector_store %arg3[%swap3A, %swap3A_6], %dot_general3A_5 {strides = array<i32>} : memref<1000x128xf32, #tpu.memory_space<vmem>>, vector<1000x128xf32>,
    return
  }
  func.func @transform_0(%arg0: i32) -> (i32, i32) {
    %c0_i32 = arith.constant 0 : i32
    %c0_i32_0 = arith.constant 0 : i32
    return %arg0, %c0_i32 : i32, i32
  }
  func.func @transform_1(%arg0: i32) -> (i32, i32) {
    %c0_i32 = arith.constant 0 : i32
    %c0_i32_0 = arith.constant 0 : i32
    %c0_i32_1 = arith.constant 0 : i32
    return %c0_i32, %c0_i32_0 : i32, i32
  }
  func.func @transform_2(%arg0: i32) -> (i32, i32) {
    %c0_i32 = arith.constant 0 : i32
    %c0_i32_0 = arith.constant 0 : i32
    return %arg0, %c0_i32 : i32, i32
  }
}

module attributes {stable_mosaic.version = 14 : i64} {
  func.func @_mid_body(%arg0: i32, %arg1: memref<1000x128xf32, #tpu.memory_space<vmem>>, %arg2: memref<1000x128xf32, #tpu.memory_space<vmem>>, %arg3: memref<1000x128xf32, #tpu.memory_space<vmem>>, %arg4: memref<1000x1xf32, #tpu.memory_space<vmem>>, %arg5: memref<1000x1xf32, #tpu.memory_space<vmem>>, %arg6: memref<1x128xf32, #tpu.memory_space<vmem>>, %arg7: memref<128x128xf32, #tpu.memory_space<vmem>>, %arg8: memref<128x128xf32, #tpu.memory_space<vmem>>, %arg9: memref<1000x128xf32, #tpu.memory_space<vmem>>, %arg10: memref<1000x128xf32, #tpu.memory_space<vmem>>) attributes {dimension_semantics = [#tpu.dimension_semantics<arbitrary>], iteration_bounds = array<i64: 10>, scalar_prefetch = 0 : i64, scratch_operands = 0 : i64, tpu.core_type = #tpu.core_type<tc>, window_params = [{transform_indices = @transform_0, window_bounds = array<i64: 1000, 128>}, {transform_indices = @transform_1, window_bounds = array<i64: 1000, 128>}, {transform_indices = @transform_2, window_bounds = array<i64: 1000, 128>}, {transform_indices = @transform_3, window_bounds = array<i64: 1000, 1>}, {transform_indices = @transform_4, window_bounds = array<i64: 1000, 1>}, {pipeline_mode = #tpu.pipeline_mode<synchronous>, transform_indices = @transform_5, window_bounds = array<i64: 1, 128>}, {pipeline_mode = #tpu.pipeline_mode<synchronous>, transform_indices = @transform_6, window_bounds = array<i64: 128, 128>}, {pipeline_mode = #tpu.pipeline_mode<synchronous>, transform_indices = @transform_7, window_bounds = array<i64: 128, 128>}, {transform_indices = @transform_8, window_bounds = array<i64: 1000, 128>}, {transform_indices = @transform_9, window_bounds = array<i64: 1000, 128>}]} {
    %get3A = arith.constant 0 : index
    %get3A_0 = arith.constant 0 : index
    %get3A_1 = vector.load %arg4[%get3A, %get3A_0] : memref<1000x1xf32, #tpu.memory_space<vmem>>, vector<1000x1xf32>
    %get3A_2 = arith.constant 0 : index
    %get3A_3 = arith.constant 0 : index
    %get3A_4 = vector.load %arg5[%get3A_2, %get3A_3] : memref<1000x1xf32, #tpu.memory_space<vmem>>, vector<1000x1xf32>
    %add3A = arith.addf %get3A_1, %get3A_4 : vector<1000x1xf32>
    %max3A = arith.constant 1.000000e+00 : f32
    %max3A_5 = vector.broadcast %max3A : f32 to vector<1000x1xf32>
    %max3A_6 = arith.maximumf %add3A, %max3A_5 : vector<1000x1xf32>
    %get3A_7 = arith.constant 0 : index
    %get3A_8 = arith.constant 0 : index
    %get3A_9 = vector.load %arg2[%get3A_7, %get3A_8] : memref<1000x128xf32, #tpu.memory_space<vmem>>, vector<1000x128xf32>
    %get3A_10 = arith.constant 0 : index
    %get3A_11 = arith.constant 0 : index
    %get3A_12 = vector.load %arg3[%get3A_10, %get3A_11] : memref<1000x128xf32, #tpu.memory_space<vmem>>, vector<1000x128xf32>
    %add3A_13 = arith.addf %get3A_9, %get3A_12 : vector<1000x128xf32>
    %get3A_14 = arith.constant 0 : index
    %get3A_15 = arith.constant 0 : index
    %get3A_16 = vector.load %arg1[%get3A_14, %get3A_15] : memref<1000x128xf32, #tpu.memory_space<vmem>>, vector<1000x128xf32>
    %get3A_17 = arith.constant 0 : index
    %get3A_18 = arith.constant 0 : index
    %get3A_19 = vector.load %arg7[%get3A_17, %get3A_18] : memref<128x128xf32, #tpu.memory_space<vmem>>, vector<128x128xf32>
    %dot_general3A = arith.constant dense<0.000000e+00> : vector<1000x128xf32>
    %dot_general3A_20 = tpu.matmul %get3A_16, %get3A_19, %dot_general3A {dimension_numbers = #tpu.dot_dimension_numbers<[1], [0], [0], [1], [0, 0, 1, 1], [], []>, transpose_lhs_hint = false} : vector<1000x128xf32>, vector<128x128xf32>, vector<1000x128xf32> -> vector<1000x128xf32>
    %div3A = vector.broadcast %max3A_6 : vector<1000x1xf32> to vector<1000x128xf32>
    %div3A_21 = arith.divf %add3A_13, %div3A : vector<1000x128xf32>
    %add3A_22 = arith.addf %dot_general3A_20, %div3A_21 : vector<1000x128xf32>
    %get3A_23 = arith.constant 0 : index
    %get3A_24 = arith.constant 0 : index
    %get3A_25 = vector.load %arg6[%get3A_23, %get3A_24] : memref<1x128xf32, #tpu.memory_space<vmem>>, vector<1x128xf32>
    %add3A_26 = vector.broadcast %get3A_25 : vector<1x128xf32> to vector<1000x128xf32>
    %add3A_27 = arith.addf %add3A_22, %add3A_26 : vector<1000x128xf32>
    %max3A_28 = arith.constant 0.000000e+00 : f32
    %max3A_29 = vector.broadcast %max3A_28 : f32 to vector<1000x128xf32>
    %max3A_30 = arith.maximumf %add3A_27, %max3A_29 : vector<1000x128xf32>
    %get3A_31 = arith.constant 0 : index
    %get3A_32 = arith.constant 0 : index
    %get3A_33 = vector.load %arg8[%get3A_31, %get3A_32] : memref<128x128xf32, #tpu.memory_space<vmem>>, vector<128x128xf32>
    %dot_general3A_34 = arith.constant dense<0.000000e+00> : vector<1000x128xf32>
    %dot_general3A_35 = tpu.matmul %max3A_30, %get3A_33, %dot_general3A_34 {dimension_numbers = #tpu.dot_dimension_numbers<[1], [0], [0], [1], [0, 0, 1, 1], [], []>, transpose_lhs_hint = false} : vector<1000x128xf32>, vector<128x128xf32>, vector<1000x128xf32> -> vector<1000x128xf32>
    %swap3A = arith.constant 0 : index
    %swap3A_36 = arith.constant 0 : index
    %swap3A_37 = vector.load %arg9[%swap3A, %swap3A_36] : memref<1000x128xf32, #tpu.memory_space<vmem>>, vector<1000x128xf32>
    tpu.vector_store %arg9[%swap3A, %swap3A_36], %dot_general3A_35 {strides = array<i32>} : memref<1000x128xf32, #tpu.memory_space<vmem>>, vector<1000x128xf32>,
    %swap3A_38 = arith.constant 0 : index
    %swap3A_39 = arith.constant 0 : index
    %swap3A_40 = vector.load %arg10[%swap3A_38, %swap3A_39] : memref<1000x128xf32, #tpu.memory_space<vmem>>, vector<1000x128xf32>
    tpu.vector_store %arg10[%swap3A_38, %swap3A_39], %max3A_30 {strides = array<i32>} : memref<1000x128xf32, #tpu.memory_space<vmem>>, vector<1000x128xf32>,
    return
  }
  func.func @transform_0(%arg0: i32) -> (i32, i32) {
    %c0_i32 = arith.constant 0 : i32
    %c0_i32_0 = arith.constant 0 : i32
    return %arg0, %c0_i32 : i32, i32
  }
  func.func @transform_1(%arg0: i32) -> (i32, i32) {
    %c0_i32 = arith.constant 0 : i32
    %c0_i32_0 = arith.constant 0 : i32
    return %arg0, %c0_i32 : i32, i32
  }
  func.func @transform_2(%arg0: i32) -> (i32, i32) {
    %c0_i32 = arith.constant 0 : i32
    %c0_i32_0 = arith.constant 0 : i32
    return %arg0, %c0_i32 : i32, i32
  }
  func.func @transform_3(%arg0: i32) -> (i32, i32) {
    %c0_i32 = arith.constant 0 : i32
    %c0_i32_0 = arith.constant 0 : i32
    return %arg0, %c0_i32 : i32, i32
  }
  func.func @transform_4(%arg0: i32) -> (i32, i32) {
    %c0_i32 = arith.constant 0 : i32
    %c0_i32_0 = arith.constant 0 : i32
    return %arg0, %c0_i32 : i32, i32
  }
  func.func @transform_5(%arg0: i32) -> (i32, i32) {
    %c0_i32 = arith.constant 0 : i32
    %c0_i32_0 = arith.constant 0 : i32
    %c0_i32_1 = arith.constant 0 : i32
    return %c0_i32, %c0_i32_0 : i32, i32
  }
  func.func @transform_6(%arg0: i32) -> (i32, i32) {
    %c0_i32 = arith.constant 0 : i32
    %c0_i32_0 = arith.constant 0 : i32
    %c0_i32_1 = arith.constant 0 : i32
    return %c0_i32, %c0_i32_0 : i32, i32
  }
  func.func @transform_7(%arg0: i32) -> (i32, i32) {
    %c0_i32 = arith.constant 0 : i32
    %c0_i32_0 = arith.constant 0 : i32
    %c0_i32_1 = arith.constant 0 : i32
    return %c0_i32, %c0_i32_0 : i32, i32
  }
  func.func @transform_8(%arg0: i32) -> (i32, i32) {
    %c0_i32 = arith.constant 0 : i32
    %c0_i32_0 = arith.constant 0 : i32
    return %arg0, %c0_i32 : i32, i32
  }
  func.func @transform_9(%arg0: i32) -> (i32, i32) {
    %c0_i32 = arith.constant 0 : i32
    %c0_i32_0 = arith.constant 0 : i32
    return %arg0, %c0_i32 : i32, i32
  }
}

module attributes {stable_mosaic.version = 14 : i64} {
  func.func @_fin_body(%arg0: i32, %arg1: memref<1000x128xf32, #tpu.memory_space<vmem>>, %arg2: memref<1000x128xf32, #tpu.memory_space<vmem>>, %arg3: memref<1000x128xf32, #tpu.memory_space<vmem>>, %arg4: memref<1000x1xf32, #tpu.memory_space<vmem>>, %arg5: memref<1000x1xf32, #tpu.memory_space<vmem>>, %arg6: memref<1x128xf32, #tpu.memory_space<vmem>>, %arg7: memref<128x128xf32, #tpu.memory_space<vmem>>, %arg8: memref<1000x128xf32, #tpu.memory_space<vmem>>) attributes {dimension_semantics = [#tpu.dimension_semantics<arbitrary>], iteration_bounds = array<i64: 10>, scalar_prefetch = 0 : i64, scratch_operands = 0 : i64, tpu.core_type = #tpu.core_type<tc>, window_params = [{transform_indices = @transform_0, window_bounds = array<i64: 1000, 128>}, {transform_indices = @transform_1, window_bounds = array<i64: 1000, 128>}, {transform_indices = @transform_2, window_bounds = array<i64: 1000, 128>}, {transform_indices = @transform_3, window_bounds = array<i64: 1000, 1>}, {transform_indices = @transform_4, window_bounds = array<i64: 1000, 1>}, {pipeline_mode = #tpu.pipeline_mode<synchronous>, transform_indices = @transform_5, window_bounds = array<i64: 1, 128>}, {pipeline_mode = #tpu.pipeline_mode<synchronous>, transform_indices = @transform_6, window_bounds = array<i64: 128, 128>}, {transform_indices = @transform_7, window_bounds = array<i64: 1000, 128>}]} {
    %get3A = arith.constant 0 : index
    %get3A_0 = arith.constant 0 : index
    %get3A_1 = vector.load %arg4[%get3A, %get3A_0] : memref<1000x1xf32, #tpu.memory_space<vmem>>, vector<1000x1xf32>
    %get3A_2 = arith.constant 0 : index
    %get3A_3 = arith.constant 0 : index
    %get3A_4 = vector.load %arg5[%get3A_2, %get3A_3] : memref<1000x1xf32, #tpu.memory_space<vmem>>, vector<1000x1xf32>
    %add3A = arith.addf %get3A_1, %get3A_4 : vector<1000x1xf32>
    %max3A = arith.constant 1.000000e+00 : f32
    %max3A_5 = vector.broadcast %max3A : f32 to vector<1000x1xf32>
    %max3A_6 = arith.maximumf %add3A, %max3A_5 : vector<1000x1xf32>
    %get3A_7 = arith.constant 0 : index
    %get3A_8 = arith.constant 0 : index
    %get3A_9 = vector.load %arg2[%get3A_7, %get3A_8] : memref<1000x128xf32, #tpu.memory_space<vmem>>, vector<1000x128xf32>
    %get3A_10 = arith.constant 0 : index
    %get3A_11 = arith.constant 0 : index
    %get3A_12 = vector.load %arg3[%get3A_10, %get3A_11] : memref<1000x128xf32, #tpu.memory_space<vmem>>, vector<1000x128xf32>
    %add3A_13 = arith.addf %get3A_9, %get3A_12 : vector<1000x128xf32>
    %get3A_14 = arith.constant 0 : index
    %get3A_15 = arith.constant 0 : index
    %get3A_16 = vector.load %arg1[%get3A_14, %get3A_15] : memref<1000x128xf32, #tpu.memory_space<vmem>>, vector<1000x128xf32>
    %get3A_17 = arith.constant 0 : index
    %get3A_18 = arith.constant 0 : index
    %get3A_19 = vector.load %arg7[%get3A_17, %get3A_18] : memref<128x128xf32, #tpu.memory_space<vmem>>, vector<128x128xf32>
    %dot_general3A = arith.constant dense<0.000000e+00> : vector<1000x128xf32>
    %dot_general3A_20 = tpu.matmul %get3A_16, %get3A_19, %dot_general3A {dimension_numbers = #tpu.dot_dimension_numbers<[1], [0], [0], [1], [0, 0, 1, 1], [], []>, transpose_lhs_hint = false} : vector<1000x128xf32>, vector<128x128xf32>, vector<1000x128xf32> -> vector<1000x128xf32>
    %div3A = vector.broadcast %max3A_6 : vector<1000x1xf32> to vector<1000x128xf32>
    %div3A_21 = arith.divf %add3A_13, %div3A : vector<1000x128xf32>
    %add3A_22 = arith.addf %dot_general3A_20, %div3A_21 : vector<1000x128xf32>
    %get3A_23 = arith.constant 0 : index
    %get3A_24 = arith.constant 0 : index
    %get3A_25 = vector.load %arg6[%get3A_23, %get3A_24] : memref<1x128xf32, #tpu.memory_space<vmem>>, vector<1x128xf32>
    %add3A_26 = vector.broadcast %get3A_25 : vector<1x128xf32> to vector<1000x128xf32>
    %add3A_27 = arith.addf %add3A_22, %add3A_26 : vector<1000x128xf32>
    %swap3A = arith.constant 0 : index
    %swap3A_28 = arith.constant 0 : index
    %swap3A_29 = vector.load %arg8[%swap3A, %swap3A_28] : memref<1000x128xf32, #tpu.memory_space<vmem>>, vector<1000x128xf32>
    tpu.vector_store %arg8[%swap3A, %swap3A_28], %add3A_27 {strides = array<i32>} : memref<1000x128xf32, #tpu.memory_space<vmem>>, vector<1000x128xf32>,
    return
  }
  func.func @transform_0(%arg0: i32) -> (i32, i32) {
    %c0_i32 = arith.constant 0 : i32
    %c0_i32_0 = arith.constant 0 : i32
    return %arg0, %c0_i32 : i32, i32
  }
  func.func @transform_1(%arg0: i32) -> (i32, i32) {
    %c0_i32 = arith.constant 0 : i32
    %c0_i32_0 = arith.constant 0 : i32
    return %arg0, %c0_i32 : i32, i32
  }
  func.func @transform_2(%arg0: i32) -> (i32, i32) {
    %c0_i32 = arith.constant 0 : i32
    %c0_i32_0 = arith.constant 0 : i32
    return %arg0, %c0_i32 : i32, i32
  }
  func.func @transform_3(%arg0: i32) -> (i32, i32) {
    %c0_i32 = arith.constant 0 : i32
    %c0_i32_0 = arith.constant 0 : i32
    return %arg0, %c0_i32 : i32, i32
  }
  func.func @transform_4(%arg0: i32) -> (i32, i32) {
    %c0_i32 = arith.constant 0 : i32
    %c0_i32_0 = arith.constant 0 : i32
    return %arg0, %c0_i32 : i32, i32
  }
  func.func @transform_5(%arg0: i32) -> (i32, i32) {
    %c0_i32 = arith.constant 0 : i32
    %c0_i32_0 = arith.constant 0 : i32
    %c0_i32_1 = arith.constant 0 : i32
    return %c0_i32, %c0_i32_0 : i32, i32
  }
  func.func @transform_6(%arg0: i32) -> (i32, i32) {
    %c0_i32 = arith.constant 0 : i32
    %c0_i32_0 = arith.constant 0 : i32
    %c0_i32_1 = arith.constant 0 : i32
    return %c0_i32, %c0_i32_0 : i32, i32
  }
  func.func @transform_7(%arg0: i32) -> (i32, i32) {
    %c0_i32 = arith.constant 0 : i32
    %c0_i32_0 = arith.constant 0 : i32
    return %arg0, %c0_i32 : i32, i32
  }
}

</mosaic_0001>

<sc_bundles>
// kernel: kernel.10.cloned.1.call-start
scs
__scs_entry_jumppad:
0x0: {  	(pc) =	sbr.rel $0x88, $3  }
0x1: {  	(tag) =	ssettag $0x0;
	lr =	simm.s32 $0x1  }
0x2: {  	[smem:$0x3F99] =	sst lr;
	_ =	strace $0xD0000000  }
0x3: {  	_ = 	snop  }
0x4: {  	_ = 	snop  }
0x5: {  	_ = 	snop  }
0x6: {  	_ = 	snop  }
0x7: {  	_ = 	snop  }
__scs_overlays_trampoline_lowered:
0x8: {  	[smem:$0x3FA8] =	sst s0  }
0x9: {  	[smem:$0x3FA9] =	sst s1  }
0xa: {  	[smem:$0x3FAA] =	sst s2  }
0xb: {  	[smem:$0x3FAB] =	sst s3  }
0xc: {  	[smem:$0x3FAC] =	sst s4  }
0xd: {  	[smem:$0x3FAD] =	sst s5  }
0xe: {  	[smem:$0x3FAE] =	sst s6  }
0xf: {  	[smem:$0x3FAF] =	sst s7  }
0x10: {  	[smem:$0x3FB0] =	sst s8  }
0x11: {  	[smem:$0x3FB1] =	sst s9;
	s0 =	simm.s32 @!p0 $0x0  }
0x12: {  	s1 =	sld [smem:$0x3F97];
	s0 =	simm.s32 @p0 $0x1  }
0x13: {  	[smem:$0x3FB2] =	sst s0;
	s0 =	simm.s32 @!p1 $0x0  }
0x14: {  	s2 =	sld [smem:$0x3F96];
	s0 =	simm.s32 @p1 $0x1  }
0x15: {  	[smem:$0x3FB3] =	sst s0;
	s0 =	simm.s32 @!p2 $0x0  }
0x16: {  	s3 =	sld [smem:$0x3FDB];
	s0 =	simm.s32 @p2 $0x1  }
0x17: {  	s4 =	simm.s32 $0x1BF5;
	[smem:$0x3FB5] =	sst s0  }
0x18: {  	s0 =	sld [smem:$0x3F98];
	_ =	swait.ge [sflag:s4], $0x0  }
0x19: {  	s7 =	sld [smem:$0x3F99]  }
0x1a: {  	s8 =	sadd.s32 $0xFFFFE003, lr  }
0x1b: {  	s9 =	sadd.s32 $0xFFFFFEF7, lr;
	s5 =	simm.s32 $0xFFFFFFFF;
	p2 =	slt.u32 s8, $0xFFFFF086  }
0x1c: {  	p1 =	slt.u32 s9, $0xF7A;
	s5 =	simm.s32 @!p2 $0x0  }
0x1d: {  	s5 =	simm.s32 @p1 $0x1;
	p0 =	seq.s32 s7, s2  }
0x1e: {  	s7 =	smul.u32 @!p0 $0xF7A, s2;
	p2 =	seq.s32 @!p0 s5, $0x0  }
0x1f: {  	s9 =	smul.u32 $0xF7A, s1;
	s8 =	simm.s32 @!p0 $0x1BF5;
	p2 =	por !p2, p0  }
0x20: {  	[sflag:s8] =	ssyncset.s32 @!p0 $0xFFFFF086;
	s6 =	sadd.s32 @!p0 s3, s7;
	s7 =	simm.s32 @!p0 $0x108  }
0x21: {  	s3 =	sadd.s32 s3, s9;
	s6 =	sadd.s32 @!p0 $0x88, s6;
	s7 =	simm.s32 @p2 $0x1082  }
0x22: {  	[simem:s7], [sflag:s8] =	dma.local @!p0 [hbm:s6], $0xF7A  }
0x23: {  	s9 =	sor.u32 $0xD0000000, s2;
	s6 =	simm.s32 $0x108;
	_ =	swait.ge @!p0 [sflag:s8], $0x0  }
0x24: {  	s3 =	sadd.s32 $0x88, s3;
	s6 =	simm.s32 @!p1 $0x1082;
	[sflag:s4] =	ssyncset.s32 $0xFFFFF086  }
0x25: {  	[simem:s6], [sflag:s4] =	dma.local [hbm:s3], $0xF7A  }
0x26: {  	[smem:$0x3F99] =	sst s1;
	(tag) =	ssettag s2;
	_ =	strace s9  }
0x27: {  	s1 =	sld [smem:$0x3FA9]  }
0x28: {  	s2 =	sld [smem:$0x3FAA]  }
0x29: {  	s4 =	sld [smem:$0x3FAC]  }
0x2a: {  	p0 =	seq.s32 s5, $0x0;
	s5 =	sld [smem:$0x3FAD]  }
0x2b: {  	s6 =	sld [smem:$0x3FAE]  }
0x2c: {  	s7 =	sld [smem:$0x3FAF]  }
0x2d: {  	s3 =	simm.s32 $0x108;
	s8 =	sld [smem:$0x3FB0]  }
0x2e: {  	s3 =	simm.s32 @!p0 $0x1082;
	s9 =	sld [smem:$0x3FB1]  }
0x2f: {  	lr =	sadd.s32 s0, s3;
	s0 =	sld [smem:$0x3FA8]  }
0x30: {  	s3 =	sld [smem:$0x3FAB]  }
0x31: {  	[smem:$0x3FB4] =	sst s10  }
0x32: {  	s10 =	sld [smem:$0x3FB2];
	_ =	sdelay $0x3  }
0x33: {  	p0 =	seq.s32 s10, $0x1;
	s10 =	sld [smem:$0x3FB4];
	_ =	sdelay $0x3  }
0x34: {  	[smem:$0x3FB4] =	sst s10  }
0x35: {  	s10 =	sld [smem:$0x3FB3];
	_ =	sdelay $0x3  }
0x36: {  	p1 =	seq.s32 s10, $0x1;
	s10 =	sld [smem:$0x3FB4];
	_ =	sdelay $0x3  }
0x37: {  	[smem:$0x3FB4] =	sst s10  }
0x38: {  	s10 =	sld [smem:$0x3FB5]  }
0x39: {  	_ = 	snop;
	(pc) =	sbr.ind lr, $3  }
0x3a: {  	_ = 	snop  }
0x3b: {  	_ = 	snop  }
0x3c: {  	p2 =	seq.s32 s10, $0x1;
	s10 =	sld [smem:$0x3FB4]  }
0x3d: {  	_ =	shalt  }
0x3e: {  	_ =	shalt  }
0x3f: {  	_ =	shalt  }
0x40: {  	_ =	shalt  }
0x41: {  	_ =	shalt  }
0x42: {  	_ =	shalt  }
0x43: {  	_ =	shalt  }
0x44: {  	_ =	shalt  }
0x45: {  	_ =	shalt  }
0x46: {  	_ =	shalt  }
0x47: {  	_ =	shalt  }
0x48: {  	_ =	shalt  }
0x49: {  	_ =	shalt  }
0x4a: {  	_ =	shalt  }
0x4b: {  	_ =	shalt  }
0x4c: {  	_ =	shalt  }
0x4d: {  	_ =	shalt  }
0x4e: {  	_ =	shalt  }
0x4f: {  	_ =	shalt  }
0x50: {  	_ =	shalt  }
0x51: {  	_ =	shalt  }
0x52: {  	_ =	shalt  }
0x53: {  	_ =	shalt  }
0x54: {  	_ =	shalt  }
0x55: {  	_ =	shalt  }
0x56: {  	_ =	shalt  }
0x57: {  	_ =	shalt  }
0x58: {  	_ =	shalt  }
0x59: {  	_ =	shalt  }
0x5a: {  	_ =	shalt  }
0x5b: {  	_ =	shalt  }
0x5c: {  	_ =	shalt  }
0x5d: {  	_ =	shalt  }
0x5e: {  	_ =	shalt  }
0x5f: {  	_ =	shalt  }
0x60: {  	_ =	shalt  }
0x61: {  	_ =	shalt  }
0x62: {  	_ =	shalt  }
0x63: {  	_ =	shalt  }
0x64: {  	_ =	shalt  }
0x65: {  	_ =	shalt  }
0x66: {  	_ =	shalt  }
0x67: {  	_ =	shalt  }
0x68: {  	_ =	shalt  }
0x69: {  	_ =	shalt  }
0x6a: {  	_ =	shalt  }
0x6b: {  	_ =	shalt  }
0x6c: {  	_ =	shalt  }
0x6d: {  	_ =	shalt  }
0x6e: {  	_ =	shalt  }
0x6f: {  	_ =	shalt  }
0x70: {  	_ =	shalt  }
0x71: {  	_ =	shalt  }
0x72: {  	_ =	shalt  }
0x73: {  	_ =	shalt  }
0x74: {  	_ =	shalt  }
0x75: {  	_ =	shalt  }
0x76: {  	_ =	shalt  }
0x77: {  	_ =	shalt  }
0x78: {  	_ =	shalt  }
0x79: {  	_ =	shalt  }
0x7a: {  	_ =	shalt  }
0x7b: {  	_ =	shalt  }
0x7c: {  	_ =	shalt  }
0x7d: {  	_ =	shalt  }
0x7e: {  	_ =	shalt  }
0x7f: {  	_ =	shalt  }
0x80: {  	_ =	shalt  }
0x81: {  	_ =	shalt  }
0x82: {  	_ =	shalt  }
0x83: {  	_ =	shalt  }
0x84: {  	_ =	shalt  }
0x85: {  	_ =	shalt  }
0x86: {  	_ =	shalt  }
0x87: {  	_ =	shalt  }
.Lfunc_end0:
.L_simem_size_0:
called_computation.1_lowered:
.L_overlay_start_0:
0x88: {  	s2 =	sld [smem:$0x3FD9]  }
0x89: {  	s3 =	sld [smem:$0x3FFE];
	_ =	sdelay $0x1  }
0x8a: {  	s1 =	srdreg.scid  }
0x8b: {  	s0 =	sand.u32 $0x1, s1  }
0x8c: {  	s16 =	sshll.u32 s0, $0xA;
	s2 =	sadd.s32 s3, s2  }
0x8d: {  	s2 =	sadd.s32 s2, s16  }
0x8e: {  	[smem:$0x3FC0] =	sst s2  }
0x8f: {  	_ = 	snop  }
0x90: {  	(tm) =	ssettm $0x1  }
0x91: {  	s17 =	sld [smem:$0x3FFB];
	_ =	sdelay $0x3  }
0x92: {  	_ =	strace s17  }
0x93: {  	s2 =	sld [smem:$0x3FFC];
	_ =	sdelay $0x3  }
0x94: {  	_ =	strace s2  }
0x95: {  	s2 =	sld [smem:$0x3FFD];
	_ =	sdelay $0x3  }
0x96: {  	_ =	strace s2  }
0x97: {  	_ =	strace $0x8FFFFFFF  }
0x98: {  	s18 =	sld [smem:$0x3FDB];
	_ =	sdelay $0x1  }
0x99: {  	s19 =	simm.s32 $_scs_section_size  }
0x9a: {  	s4 =	simm.s32 $_size__tile_overlayer_lowered;
	s5 =	simm.s32 $_tile_overlayer_lowered  }
0x9b: {  	s22 =	simm.s32 $0x1BFF;
	s21 =	sshll.u32 s5, $0x1;
	s2 =	sadd.s32 s19, s18  }
0x9c: {  	s6 =	simm.s32 $0x0;
	s20 =	sshll.u32 s4, $0x1;
	s4 =	sadd.s32 s21, s2  }
0x9d: {  	[timem:s6], [sflag:s22] =	dma.local [hbm:s4], s20  }
0x9e: {  	_ =	swait.ge [sflag:s22], s20  }
0x9f: {  	s3 =	ssub.s32 $0x0, s20;
	[sflag:s22] =	ssyncset.done $0x0  }
0xa0: {  	[sflag:s22] =	ssyncadd.s32 s3;
	_ =	sdelay $0x1  }
0xa1: {  	s23 =	simm.s32 $0x1B8B  }
0xa2: {  	_ =	swait.ge [sflag:s23], $0x1  }
0xa3: {  	[sflag:s23] =	ssyncset.done $0x0  }
0xa4: {  	s25 =	simm.s32 $0x1B8E;
	s24 =	sld [smem:$0x3FFE];
	[sflag:s23] =	ssyncadd.s32 $0xFFFFFFFF  }
0xa5: {  	s26 =	simm.s32 $execute0_lowered;
	[smem:$0x3FD2] =	sst s25  }
0xa6: {  	s4 =	sshll.u32 s26, $0x1;
	_ =	strace $0x80000049;
	[dreg:$0x1] =	wrdreg $0xFFFFFFFF  }
0xa7: {  	s28 =	simm.s32 $_size_execute0_lowered;
	s2 =	sadd.s32 s2, s4;
	[dreg:$0x0] =	wrdreg $0x0  }
0xa8: {  	s4 =	sshll.u32 s28, $0x1;
	[dreg:$0x2] =	wrdreg s2  }
0xa9: {  	[dreg:$0x3] =	wrdreg s4  }
0xaa: {  	[dreg:$0x4] =	wrdreg $0xC0  }
0xab: {  	_ =	task [dreg:s6], $0x5FFFF  }
0xac: {  	[dreg:$0x1] =	wrdreg $0xFFFFFFFF  }
0xad: {  	[dreg:$0x0] =	wrdreg $0x60  }
0xae: {  	[dreg:$0x2] =	wrdreg s24  }
0xaf: {  	[dreg:$0x3] =	wrdreg $0x91000  }
0xb0: {  	[dreg:$0x4] =	wrdreg $0x9  }
0xb1: {  	_ =	task.clear_ibuf [dreg:s6], $0x5FFFF;
	_ =	strace $0x90000049  }
0xb2: {  	s29 =	simm.s32 $0x9;
	_ =	strace $0x8000004B  }
0xb3: {  	_ =	swait.ge [sflag:s29], $0x1  }
0xb4: {  	[sflag:s29] =	ssyncadd.s32 $0xFFFFFFFF  }
0xb5: {  	_ =	strace $0x9000004B  }
0xb6: {  	_ =	sfence  }
0xb7: {  	s30 =	sld [smem:$0x0];
	_ =	sdelay $0x2  }
0xb8: {  	s31 =	sshll.u32 s1, $0xD;
	s1 =	sshrl.u32 s1, $0x2  }
0xb9: {  	s3 =	sand.u32 $0x4000, s31;
	s1 =	sadd.s32 s1, s30  }
0xba: {  	s0 =	sor.u32 s3, s0;
	s1 =	sshll.u32 s1, $0x11  }
0xbb: {  	s0 =	sor.u32 s1, s0  }
0xbc: {  	s0 =	sadd.s32 $0x8F2B, s0  }
0xbd: {  	[sflag:s0] =	ssyncadd.remote.s32 $0x1  }
0xbe: {  	_ =	sfence.sel $0xFFFF  }
0xbf: {  	[dreg:$0x0] =	wrdreg $0xFFFFFFFF;
	(pc) =	sbr.abs _section_cstart, $3  }
0xc0: {  	[dreg:$0x1] =	wrdreg $0xFFFFFFFF  }
0xc1: {  	_ =	task.clear_ibuf [dreg:s6], $0x2FFFF;
	_ =	strace $0x9FFFFFFF  }
0xc2: {  	(tm) =	ssettm $0x7FFFFFFF  }
0xc3: {  	_ =	shalt  }
tec
execute0_lowered:
.L_overlay_start_1:
0x0: {  	(tag) =	ssettag $0x1  }
0x1: {  	s0 =	rddreg [dreg:$0x0]  }
0x2: {  	s2 =	rddreg [dreg:$0x1]  }
0x3: {  	s1 =	srdreg.scid;
	s16 =	stileid.u32;
	s3 =	simm.s32 $0x0  }
0x4: {  	s20 =	simm.s32 $0x7;
	s21 =	simm.s32 $0x50;
	s22 =	simm.s32 $0x4100  }
0x5: {  	s28 =	simm.s32 $0x5;
	s29 =	simm.s32 $0x3;
	s31 =	simm.s32 $0x2  }
0x6: {  	s1 =	sand.u32 $0x1, s1;
	s4 =	sshll.u32 s16, $0xF;
	s9 =	smul.u32 $0x2800, s16  }
0x7: {  	[smem:$0x7FF] =	sst s3;
	s6 =	sadd.s32 $0x2800, s0;
	s11 =	smul.u32 $0x50000, s16  }
0x8: {  	s13 =	sadd.s32 $0xBF000, s0;
	s23 =	smul.u32 $0x14000, s16;
	s17 =	sadd.s32 $0x12C000, s2  }
0x9: {  	p0 =	seq.s32 s16, $0xF;
	s5 =	sshll.u32 s1, $0xE;
	_ =	strace $0x8000004A  }
0xa: {  	s10 =	ssub.s32 $0x2, s1;
	s1 =	smul.u32 $0x138800, s1;
	s17 =	sshrl.u32 @p0 s17, $0x3  }
0xb: {  	s4 =	sor.u32 s5, s4;
	s5 =	sadd.s32 $0x97E00, s0;
	s9 =	sadd.s32 s9, s0  }
0xc: {  	s12 =	sshrl.u32 s10, $0x1;
	s24 =	sshrl.u32 s11, $0x2;
	s7 =	sshrl.u32 s4, $0x3  }
0xd: {  	s14 =	ssub.s32 s10, s12;
	s9 =	sadd.s32 $0x22800, s9;
	s10 =	sadd.s32 s23, s1  }
0xe: {  	s1 =	sshrl.u32 s1, $0x3;
	s23 =	simm.s32 $0x0;
	s8 =	sadd.s32 s7, s0  }
0xf: {  	[dreg:$0x4] =	wrdreg s9;
	s25 =	sshrl.u32 s10, $0x3;
	s0 =	sadd.s32 $0x48000, s0  }
0x10: {  	s30 =	sadd.s32 s13, s1;
	s1 =	simm.s32 $0x4;
	s8 =	sadd.s32 $0x12800, s8  }
0x11: {  	[dreg:$0x5] =	wrdreg s0;
	s26 =	sadd.s32 s13, s25;
	s12 =	sadd.s32 $0x25800, s30  }
0x12: {  	s13 =	smax.u32 s14, $0x1;
	s0 =	sshll.u32 @!p0 s16, $0x6;
	s16 =	simm.s32 $0x4000  }
0x13: {  	s25 =	simm.s32 $0x4080;
	[dreg:$0x3] =	wrdreg s8;
	s8 =	sadd.s32 s6, s7  }
0x14: {  	s7 =	sadd.s32 s24, s2;
	[dreg:$0x6] =	wrdreg s26;
	s18 =	sor.u32 @!p0 $0x1C08, s0  }
0x15: {  	s24 =	simm.s32 $0x6900;
	s26 =	simm.s32 $0x1;
	s0 =	simm.s32 $0x6  }
0x16: {  	s14 =	sadd.s32 $0x10, s8;
	s15 =	sadd.s32 $0x20, s8;
	s19 =	sshrl.u32 @!p0 s7, $0x3  }
.LBB2_1:
0x17: {  	s7 =	rddreg [dreg:$0x3]  }
0x18: {  	[tilespmem:s3], [sflag:$0x7] =	stream.linear.gather [hbm4b:s7+s3], $0x3E80, $0x38;
	[tilespmem:$0x1C980] =	vst v63  }
0x19: {  	s9 =	rddreg [dreg:$0x5];
	s7 =	simm.s32 @p0 $0x1FC8  }
0x1a: {  	[tilespmem:s16], [sflag:$0x5] =	stream.linear.gather [hbm4b:s8+s3], $0x80, $0x38;
	[tilespmem:$0x1C980] =	vst v63  }
0x1b: {  	[spmem:s17], [sflag:s7] =	dma.local @p0 [hbm:s9], $0x1900  }
0x1c: {  	s7 =	simm.s32 @p0 $0x8  }
0x1d: {  	_ =	swait.ge @p0 [sflag:s7], $0x1900  }
0x1e: {  	[sflag:s7] =	ssyncset.done @p0 $0x0  }
0x1f: {  	[sflag:s7] =	ssyncadd.s32 @p0 $0xFFFFE700;
	s7 =	rddreg [dreg:$0x4]  }
0x20: {  	[spmem:s19], [sflag:s18] =	dma.local @!p0 [hbm:s7], $0x2800  }
0x21: {  	s7 =	simm.s32 @!p0 $0x8  }
0x22: {  	_ =	swait.ge @!p0 [sflag:s7], $0x2800  }
0x23: {  	[sflag:s7] =	ssyncset.done @!p0 $0x0  }
0x24: {  	[sflag:s7] =	ssyncadd.s32 @!p0 $0xFFFFD800  }
0x25: {  	_ =	swait.ge [sflag:s20], $0x3E80  }
0x26: {  	[sflag:s20] =	ssyncset.done $0x0  }
0x27: {  	[sflag:s20] =	ssyncadd.s32 $0xFFFFC180  }
0x28: {  	[tilespmem:s22], [sflag:$0x1] =	stream.indirect.gather [hbm4b:s5+s21], $0x80, s3, s21, $0xb8;
	[tilespmem:$0x1C980] =	vst v63  }
0x29: {  	s11 =	simm.s32 $0x80;
	[bflag:$0x0] =	sbarrier.arrive $0xFFFF  }
0x2a: {  	[tilespmem:s24], [sflag:$0x2] =	stream.indirect.gather [hbm4b:s5+s21], $0x80, s11, s21, $0xb8;
	[tilespmem:$0x1C980] =	vst v63  }
0x2b: {  	_ = 	snop  }
0x2c: {  	[tilespmem:s25], [sflag:$0x6] =	stream.linear.gather [hbm4b:s14+s3], $0x80, $0x38;
	[tilespmem:$0x1C980] =	vst v63  }
0x2d: {  	_ =	swait.ge [sflag:s26], $0x2800  }
0x2e: {  	[sflag:s26] =	ssyncset.done $0x0  }
0x2f: {  	[sflag:s26] =	ssyncadd.s32 $0xFFFFD800  }
0x30: {  	_ =	swait.ge [sflag:s28], $0x80  }
0x31: {  	[sflag:s28] =	ssyncset.done $0x0  }
0x32: {  	[sflag:s28] =	ssyncadd.s32 $0xFFFFFF80  }
0x33: {  	[spmem:s2] =	stream.indirect.scatter.add.f32 [tilespmem:s22], [sflag:$0x3], $0x80, s16, s21, $0xb8;
	[tilespmem:$0x1C980] =	vst v63  }
0x34: {  	_ =	swait.ge [sflag:s29], $0x2800  }
0x35: {  	[sflag:s29] =	ssyncset.done $0x0  }
0x36: {  	s9 =	simm.s32 $0x100;
	[sflag:s29] =	ssyncadd.s32 $0xFFFFD800  }
0x37: {  	[tilespmem:s22], [sflag:$0x1] =	stream.indirect.gather [hbm4b:s5+s21], $0x80, s9, s21, $0xb8;
	[tilespmem:$0x1C980] =	vst v63  }
0x38: {  	_ = 	snop  }
0x39: {  	[tilespmem:s16], [sflag:$0x5] =	stream.linear.gather [hbm4b:s15+s3], $0x80, $0x38;
	[tilespmem:$0x1C980] =	vst v63  }
0x3a: {  	_ =	swait.ge [sflag:s31], $0x2800  }
0x3b: {  	[sflag:s31] =	ssyncset.done $0x0  }
0x3c: {  	[sflag:s31] =	ssyncadd.s32 $0xFFFFD800  }
0x3d: {  	_ =	swait.ge [sflag:s0], $0x80  }
0x3e: {  	s10 =	simm.s32 $0x180;
	s30 =	simm.s32 $0x100;
	[sflag:s0] =	ssyncset.done $0x0  }
0x3f: {  	s30 =	sand.u32 $0x3C00, s30;
	s7 =	sand.u32 $0x380, s10;
	[sflag:s0] =	ssyncadd.s32 $0xFFFFFF80  }
0x40: {  	[spmem:s2] =	stream.indirect.scatter.add.f32 [tilespmem:s24], [sflag:$0x4], $0x80, s25, s21, $0xb8;
	[tilespmem:$0x1C980] =	vst v63  }
0x41: {  	s7 =	sor.u32 s7, s30;
	_ =	swait.ge [sflag:s1], $0x2800  }
0x42: {  	s7 =	sor.u32 s4, s7;
	[sflag:s1] =	ssyncset.done $0x0  }
0x43: {  	s30 =	simm.s32 $0x180;
	s7 =	sshrl.u32 s7, $0x3;
	[sflag:s1] =	ssyncadd.s32 $0xFFFFD800  }
0x44: {  	[tilespmem:s24], [sflag:$0x2] =	stream.indirect.gather [hbm4b:s5+s21], $0x80, s30, s21, $0xb8;
	[tilespmem:$0x1C980] =	vst v63  }
0x45: {  	s7 =	sadd.s32 s6, s7  }
0x46: {  	[tilespmem:s25], [sflag:$0x6] =	stream.linear.gather [hbm4b:s7+s3], $0x80, $0x38;
	[tilespmem:$0x1C980] =	vst v63  }
0x47: {  	_ =	swait.ge [sflag:s26], $0x2800  }
0x48: {  	[sflag:s26] =	ssyncset.done $0x0  }
0x49: {  	[sflag:s26] =	ssyncadd.s32 $0xFFFFD800  }
0x4a: {  	_ =	swait.ge [sflag:s28], $0x80  }
0x4b: {  	s11 =	simm.s32 $0x200;
	[sflag:s28] =	ssyncset.done $0x0  }
0x4c: {  	s10 =	sand.u32 $0x7C00, s11;
	[sflag:s28] =	ssyncadd.s32 $0xFFFFFF80  }
0x4d: {  	[spmem:s2] =	stream.indirect.scatter.add.f32 [tilespmem:s22], [sflag:$0x3], $0x80, s16, s21, $0xb8;
	[tilespmem:$0x1C980] =	vst v63  }
0x4e: {  	s9 =	sadd.s32 s4, s10;
	s7 =	sand.u32 $0x300, s11;
	_ =	swait.ge [sflag:s29], $0x2800  }
0x4f: {  	s7 =	sor.u32 s7, s9;
	[sflag:s29] =	ssyncset.done $0x0  }
0x50: {  	s11 =	simm.s32 $0x200;
	s7 =	sshrl.u32 s7, $0x3;
	[sflag:s29] =	ssyncadd.s32 $0xFFFFD800  }
0x51: {  	[tilespmem:s22], [sflag:$0x1] =	stream.indirect.gather [hbm4b:s5+s21], $0x80, s11, s21, $0xb8;
	[tilespmem:$0x1C980] =	vst v63  }
0x52: {  	s7 =	sadd.s32 s6, s7  }
0x53: {  	[tilespmem:s16], [sflag:$0x5] =	stream.linear.gather [hbm4b:s7+s3], $0x80, $0x38;
	[tilespmem:$0x1C980] =	vst v63  }
0x54: {  	s7 =	simm.s32 $0x300;
	_ =	swait.ge [sflag:s31], $0x2800  }
.LBB2_2:
0x55: {  	p1 =	sne.s32 s7, $0x3E00  }
0x56: {  	[sflag:s31] =	ssyncset.done $0x0;
	s30 =	sadd.s32 $0x100, s30;
	s9 =	smov.u32 s7  }
0x57: {  	s10 =	sadd.s32 $0xFFFFFF80, s7;
	s11 =	sadd.s32 $0xFFFFFF00, s7;
	[sflag:s31] =	ssyncadd.s32 $0xFFFFD800  }
0x58: {  	s10 =	sand.u32 $0x380, s10;
	s11 =	sand.u32 $0x3C00, s11;
	_ =	swait.ge [sflag:s0], $0x80  }
0x59: {  	s7 =	sadd.s32 $0x100, s7;
	s10 =	sor.u32 s10, s11;
	[sflag:s0] =	ssyncset.done $0x0  }
0x5a: {  	s10 =	sor.u32 s4, s10;
	[sflag:s0] =	ssyncadd.s32 $0xFFFFFF80  }
0x5b: {  	[spmem:s2] =	stream.indirect.scatter.add.f32 [tilespmem:s24], [sflag:$0x4], $0x80, s25, s21, $0xb8;
	[tilespmem:$0x1C980] =	vst v63  }
0x5c: {  	s10 =	sshrl.u32 s10, $0x3;
	_ =	swait.ge [sflag:s1], $0x2800  }
0x5d: {  	[sflag:s1] =	ssyncset.done $0x0  }
0x5e: {  	[sflag:s1] =	ssyncadd.s32 $0xFFFFD800  }
0x5f: {  	[tilespmem:s24], [sflag:$0x2] =	stream.indirect.gather [hbm4b:s5+s21], $0x80, s30, s21, $0xb8;
	[tilespmem:$0x1C980] =	vst v63  }
0x60: {  	s10 =	sadd.s32 s6, s10  }
0x61: {  	[tilespmem:s25], [sflag:$0x6] =	stream.linear.gather [hbm4b:s10+s3], $0x80, $0x38;
	[tilespmem:$0x1C980] =	vst v63  }
0x62: {  	_ =	swait.ge [sflag:s26], $0x2800  }
0x63: {  	[sflag:s26] =	ssyncset.done $0x0  }
0x64: {  	[sflag:s26] =	ssyncadd.s32 $0xFFFFD800  }
0x65: {  	_ =	swait.ge [sflag:s28], $0x80  }
0x66: {  	[sflag:s28] =	ssyncset.done $0x0  }
0x67: {  	[sflag:s28] =	ssyncadd.s32 $0xFFFFFF80  }
0x68: {  	[spmem:s2] =	stream.indirect.scatter.add.f32 [tilespmem:s22], [sflag:$0x3], $0x80, s16, s21, $0xb8;
	[tilespmem:$0x1C980] =	vst v63  }
0x69: {  	s10 =	sand.u32 $0x7C00, s9;
	_ =	swait.ge [sflag:s29], $0x2800  }
0x6a: {  	s9 =	sand.u32 $0x300, s9;
	s10 =	sadd.s32 s4, s10;
	[sflag:s29] =	ssyncset.done $0x0  }
0x6b: {  	s11 =	sadd.s32 $0x80, s30;
	s9 =	sor.u32 s9, s10;
	[sflag:s29] =	ssyncadd.s32 $0xFFFFD800  }
0x6c: {  	[tilespmem:s22], [sflag:$0x1] =	stream.indirect.gather [hbm4b:s5+s21], $0x80, s11, s21, $0xb8;
	[tilespmem:$0x1C980] =	vst v63  }
.Ltmp0:
0x6d: {  	_ = 	snop;
	(pc) =	sbr.rel @p1 .LBB2_2-.Ltmp0, $4  }
0x6e: {  	s9 =	sshrl.u32 s9, $0x3  }
0x6f: {  	s9 =	sadd.s32 s6, s9  }
0x70: {  	[tilespmem:s16], [sflag:$0x5] =	stream.linear.gather [hbm4b:s9+s3], $0x80, $0x38;
	[tilespmem:$0x1C980] =	vst v63  }
0x71: {  	_ =	swait.ge [sflag:s31], $0x2800  }
0x72: {  	[sflag:s31] =	ssyncset.done $0x0  }
0x73: {  	[sflag:s31] =	ssyncadd.s32 $0xFFFFD800  }
0x74: {  	_ =	swait.ge [sflag:s0], $0x80  }
0x75: {  	[sflag:s0] =	ssyncset.done $0x0  }
0x76: {  	[sflag:s0] =	ssyncadd.s32 $0xFFFFFF80  }
0x77: {  	[spmem:s2] =	stream.indirect.scatter.add.f32 [tilespmem:s24], [sflag:$0x4], $0x80, s25, s21, $0xb8;
	[tilespmem:$0x1C980] =	vst v63  }
0x78: {  	_ =	swait.ge [sflag:s1], $0x2800  }
0x79: {  	[sflag:s1] =	ssyncset.done $0x0  }
0x7a: {  	[sflag:s1] =	ssyncadd.s32 $0xFFFFD800  }
0x7b: {  	_ =	swait.ge [sflag:s26], $0x2800  }
0x7c: {  	[sflag:s26] =	ssyncset.done $0x0  }
0x7d: {  	[sflag:s26] =	ssyncadd.s32 $0xFFFFD800  }
0x7e: {  	_ =	swait.ge [sflag:s28], $0x80  }
0x7f: {  	[sflag:s28] =	ssyncset.done $0x0  }
0x80: {  	[sflag:s28] =	ssyncadd.s32 $0xFFFFFF80  }
0x81: {  	[spmem:s2] =	stream.indirect.scatter.add.f32 [tilespmem:s22], [sflag:$0x3], $0x80, s16, s21, $0xb8;
	[tilespmem:$0x1C980] =	vst v63  }
0x82: {  	_ =	swait.ge [sflag:s29], $0x2800  }
0x83: {  	[sflag:s29] =	ssyncset.done $0x0  }
0x84: {  	[sflag:s29] =	ssyncadd.s32 $0xFFFFD800  }
0x85: {  	s7 =	simm.s32 @p0 $0x1FC8;
	[bflag:$0x0] =	sbarrier.arrive $0xFFFF  }
0x86: {  	[hbm:s12], [sflag:s7] =	dma.local @p0 [spmem:s17], $0x1900  }
0x87: {  	s7 =	simm.s32 @p0 $0x8  }
0x88: {  	_ =	swait.ge @p0 [sflag:s7], $0x1900  }
0x89: {  	s23 =	sadd.s32 $0x1, s23;
	[sflag:s7] =	ssyncset.done @p0 $0x0  }
0x8a: {  	p1 =	sne.s32 s23, s13;
	[sflag:s7] =	ssyncadd.s32 @p0 $0xFFFFE700;
	s7 =	rddreg [dreg:$0x6]  }
0x8b: {  	[hbm:s7], [sflag:s18] =	dma.local @!p0 [spmem:s19], $0x2800  }
.Ltmp1:
0x8c: {  	_ = 	snop;
	(pc) =	sbr.rel @p1 .LBB2_1-.Ltmp1, $4  }
0x8d: {  	s7 =	simm.s32 @!p0 $0x8  }
0x8e: {  	_ =	swait.ge @!p0 [sflag:s7], $0x2800  }
0x8f: {  	[sflag:s7] =	ssyncset.done @!p0 $0x0  }
0x90: {  	[sflag:s7] =	ssyncadd.s32 @!p0 $0xFFFFD800  }
0x91: {  	_ =	sfence.sel $0x180000  }
0x92: {  	[bflag:$0x0] =	sbarrier.arrive $0xFFFF  }
0x93: {  	_ =	strace $0x9000004A  }
0x94: {  	s0 =	stileid.u32;
	[bflag:$0x2] =	sbarrier.arrive $0xFFFF  }
0x95: {  	p0 =	sne.s32 s0, $0x0;
	s0 =	rddreg [dreg:$0x2]  }
0x96: {  	s0 =	sadd.s32 @!p0 $0x100000, s0  }
0x97: {  	[sflag:s0] =	ssyncadd.tile.s32 @!p0 $0x1;
	_ =	shalt  }
.Lfunc_end2:
_tile_overlayer_lowered:
.L_overlay_start_2:
0x98: {  	(tag) =	ssettag $0x2  }
0x99: {  	s0 =	rddreg [dreg:$0x0];
	s2 =	stileid.u32  }
0x9a: {  	s1 =	rddreg [dreg:$0x1];
	p0 =	sne.s32 s2, $0x0  }
0x9b: {  	s3 =	rddreg [dreg:$0x2];
	[bflag:$0x3] =	sbarrier.arrive $0xFFFF;
	s2 =	simm.s32 @!p0 $0x1C08  }
0x9c: {  	[timem:s3], [sflag:s2] =	dma.local @!p0 [hbm:s0], s1  }
0x9d: {  	s0 =	simm.s32 @!p0 $0x8  }
0x9e: {  	_ =	swait.ge @!p0 [sflag:s0], s1  }
0x9f: {  	s1 =	ssub.s32 @!p0 $0x0, s1;
	[sflag:s0] =	ssyncset.done @!p0 $0x0  }
0xa0: {  	[sflag:s0] =	ssyncadd.s32 @!p0 s1  }
0xa1: {  	[bflag:$0x3] =	sbarrier.arrive $0xFFFF  }
0xa2: {  	_ =	shalt  }

// kernel: kernel.7.cloned.1.call-start
scs
__scs_entry_jumppad:
0x0: {  	(pc) =	sbr.rel $0x88, $3  }
0x1: {  	(tag) =	ssettag $0x0;
	lr =	simm.s32 $0x1  }
0x2: {  	[smem:$0x3F99] =	sst lr;
	_ =	strace $0xD0000000  }
0x3: {  	_ = 	snop  }
0x4: {  	_ = 	snop  }
0x5: {  	_ = 	snop  }
0x6: {  	_ = 	snop  }
0x7: {  	_ = 	snop  }
__scs_overlays_trampoline_lowered:
0x8: {  	[smem:$0x3FA8] =	sst s0  }
0x9: {  	[smem:$0x3FA9] =	sst s1  }
0xa: {  	[smem:$0x3FAA] =	sst s2  }
0xb: {  	[smem:$0x3FAB] =	sst s3  }
0xc: {  	[smem:$0x3FAC] =	sst s4  }
0xd: {  	[smem:$0x3FAD] =	sst s5  }
0xe: {  	[smem:$0x3FAE] =	sst s6  }
0xf: {  	[smem:$0x3FAF] =	sst s7  }
0x10: {  	[smem:$0x3FB0] =	sst s8  }
0x11: {  	[smem:$0x3FB1] =	sst s9;
	s0 =	simm.s32 @!p0 $0x0  }
0x12: {  	s1 =	sld [smem:$0x3F97];
	s0 =	simm.s32 @p0 $0x1  }
0x13: {  	[smem:$0x3FB2] =	sst s0;
	s0 =	simm.s32 @!p1 $0x0  }
0x14: {  	s2 =	sld [smem:$0x3F96];
	s0 =	simm.s32 @p1 $0x1  }
0x15: {  	[smem:$0x3FB3] =	sst s0;
	s0 =	simm.s32 @!p2 $0x0  }
0x16: {  	s3 =	sld [smem:$0x3FDB];
	s0 =	simm.s32 @p2 $0x1  }
0x17: {  	s4 =	simm.s32 $0x1BF5;
	[smem:$0x3FB5] =	sst s0  }
0x18: {  	s0 =	sld [smem:$0x3F98];
	_ =	swait.ge [sflag:s4], $0x0  }
0x19: {  	s7 =	sld [smem:$0x3F99]  }
0x1a: {  	s8 =	sadd.s32 $0xFFFFE003, lr  }
0x1b: {  	s9 =	sadd.s32 $0xFFFFFEF7, lr;
	s5 =	simm.s32 $0xFFFFFFFF;
	p2 =	slt.u32 s8, $0xFFFFF086  }
0x1c: {  	p1 =	slt.u32 s9, $0xF7A;
	s5 =	simm.s32 @!p2 $0x0  }
0x1d: {  	s5 =	simm.s32 @p1 $0x1;
	p0 =	seq.s32 s7, s2  }
0x1e: {  	s7 =	smul.u32 @!p0 $0xF7A, s2;
	p2 =	seq.s32 @!p0 s5, $0x0  }
0x1f: {  	s9 =	smul.u32 $0xF7A, s1;
	s8 =	simm.s32 @!p0 $0x1BF5;
	p2 =	por !p2, p0  }
0x20: {  	[sflag:s8] =	ssyncset.s32 @!p0 $0xFFFFF086;
	s6 =	sadd.s32 @!p0 s3, s7;
	s7 =	simm.s32 @!p0 $0x108  }
0x21: {  	s3 =	sadd.s32 s3, s9;
	s6 =	sadd.s32 @!p0 $0x88, s6;
	s7 =	simm.s32 @p2 $0x1082  }
0x22: {  	[simem:s7], [sflag:s8] =	dma.local @!p0 [hbm:s6], $0xF7A  }
0x23: {  	s9 =	sor.u32 $0xD0000000, s2;
	s6 =	simm.s32 $0x108;
	_ =	swait.ge @!p0 [sflag:s8], $0x0  }
0x24: {  	s3 =	sadd.s32 $0x88, s3;
	s6 =	simm.s32 @!p1 $0x1082;
	[sflag:s4] =	ssyncset.s32 $0xFFFFF086  }
0x25: {  	[simem:s6], [sflag:s4] =	dma.local [hbm:s3], $0xF7A  }
0x26: {  	[smem:$0x3F99] =	sst s1;
	(tag) =	ssettag s2;
	_ =	strace s9  }
0x27: {  	s1 =	sld [smem:$0x3FA9]  }
0x28: {  	s2 =	sld [smem:$0x3FAA]  }
0x29: {  	s4 =	sld [smem:$0x3FAC]  }
0x2a: {  	p0 =	seq.s32 s5, $0x0;
	s5 =	sld [smem:$0x3FAD]  }
0x2b: {  	s6 =	sld [smem:$0x3FAE]  }
0x2c: {  	s7 =	sld [smem:$0x3FAF]  }
0x2d: {  	s3 =	simm.s32 $0x108;
	s8 =	sld [smem:$0x3FB0]  }
0x2e: {  	s3 =	simm.s32 @!p0 $0x1082;
	s9 =	sld [smem:$0x3FB1]  }
0x2f: {  	lr =	sadd.s32 s0, s3;
	s0 =	sld [smem:$0x3FA8]  }
0x30: {  	s3 =	sld [smem:$0x3FAB]  }
0x31: {  	[smem:$0x3FB4] =	sst s10  }
0x32: {  	s10 =	sld [smem:$0x3FB2];
	_ =	sdelay $0x3  }
0x33: {  	p0 =	seq.s32 s10, $0x1;
	s10 =	sld [smem:$0x3FB4];
	_ =	sdelay $0x3  }
0x34: {  	[smem:$0x3FB4] =	sst s10  }
0x35: {  	s10 =	sld [smem:$0x3FB3];
	_ =	sdelay $0x3  }
0x36: {  	p1 =	seq.s32 s10, $0x1;
	s10 =	sld [smem:$0x3FB4];
	_ =	sdelay $0x3  }
0x37: {  	[smem:$0x3FB4] =	sst s10  }
0x38: {  	s10 =	sld [smem:$0x3FB5]  }
0x39: {  	_ = 	snop;
	(pc) =	sbr.ind lr, $3  }
0x3a: {  	_ = 	snop  }
0x3b: {  	_ = 	snop  }
0x3c: {  	p2 =	seq.s32 s10, $0x1;
	s10 =	sld [smem:$0x3FB4]  }
0x3d: {  	_ =	shalt  }
0x3e: {  	_ =	shalt  }
0x3f: {  	_ =	shalt  }
0x40: {  	_ =	shalt  }
0x41: {  	_ =	shalt  }
0x42: {  	_ =	shalt  }
0x43: {  	_ =	shalt  }
0x44: {  	_ =	shalt  }
0x45: {  	_ =	shalt  }
0x46: {  	_ =	shalt  }
0x47: {  	_ =	shalt  }
0x48: {  	_ =	shalt  }
0x49: {  	_ =	shalt  }
0x4a: {  	_ =	shalt  }
0x4b: {  	_ =	shalt  }
0x4c: {  	_ =	shalt  }
0x4d: {  	_ =	shalt  }
0x4e: {  	_ =	shalt  }
0x4f: {  	_ =	shalt  }
0x50: {  	_ =	shalt  }
0x51: {  	_ =	shalt  }
0x52: {  	_ =	shalt  }
0x53: {  	_ =	shalt  }
0x54: {  	_ =	shalt  }
0x55: {  	_ =	shalt  }
0x56: {  	_ =	shalt  }
0x57: {  	_ =	shalt  }
0x58: {  	_ =	shalt  }
0x59: {  	_ =	shalt  }
0x5a: {  	_ =	shalt  }
0x5b: {  	_ =	shalt  }
0x5c: {  	_ =	shalt  }
0x5d: {  	_ =	shalt  }
0x5e: {  	_ =	shalt  }
0x5f: {  	_ =	shalt  }
0x60: {  	_ =	shalt  }
0x61: {  	_ =	shalt  }
0x62: {  	_ =	shalt  }
0x63: {  	_ =	shalt  }
0x64: {  	_ =	shalt  }
0x65: {  	_ =	shalt  }
0x66: {  	_ =	shalt  }
0x67: {  	_ =	shalt  }
0x68: {  	_ =	shalt  }
0x69: {  	_ =	shalt  }
0x6a: {  	_ =	shalt  }
0x6b: {  	_ =	shalt  }
0x6c: {  	_ =	shalt  }
0x6d: {  	_ =	shalt  }
0x6e: {  	_ =	shalt  }
0x6f: {  	_ =	shalt  }
0x70: {  	_ =	shalt  }
0x71: {  	_ =	shalt  }
0x72: {  	_ =	shalt  }
0x73: {  	_ =	shalt  }
0x74: {  	_ =	shalt  }
0x75: {  	_ =	shalt  }
0x76: {  	_ =	shalt  }
0x77: {  	_ =	shalt  }
0x78: {  	_ =	shalt  }
0x79: {  	_ =	shalt  }
0x7a: {  	_ =	shalt  }
0x7b: {  	_ =	shalt  }
0x7c: {  	_ =	shalt  }
0x7d: {  	_ =	shalt  }
0x7e: {  	_ =	shalt  }
0x7f: {  	_ =	shalt  }
0x80: {  	_ =	shalt  }
0x81: {  	_ =	shalt  }
0x82: {  	_ =	shalt  }
0x83: {  	_ =	shalt  }
0x84: {  	_ =	shalt  }
0x85: {  	_ =	shalt  }
0x86: {  	_ =	shalt  }
0x87: {  	_ =	shalt  }
.Lfunc_end0:
.L_simem_size_0:
called_computation_lowered:
.L_overlay_start_0:
0x88: {  	s2 =	sld [smem:$0x3FD9]  }
0x89: {  	s3 =	sld [smem:$0x3FFE];
	_ =	sdelay $0x1  }
0x8a: {  	s1 =	srdreg.scid  }
0x8b: {  	s0 =	sand.u32 $0x1, s1  }
0x8c: {  	s17 =	sshll.u32 s0, $0xA;
	s2 =	sadd.s32 s3, s2  }
0x8d: {  	s2 =	sadd.s32 s2, s17  }
0x8e: {  	[smem:$0x3FC0] =	sst s2  }
0x8f: {  	_ = 	snop  }
0x90: {  	s2 =	sld [smem:$0x3FD0];
	(tm) =	ssettm $0x1  }
0x91: {  	s18 =	sld [smem:$0x3FFB];
	_ =	sdelay $0x3  }
0x92: {  	_ =	strace s18  }
0x93: {  	s3 =	sld [smem:$0x3FFC];
	_ =	sdelay $0x3  }
0x94: {  	_ =	strace s3  }
0x95: {  	s3 =	sld [smem:$0x3FFD];
	_ =	sdelay $0x3  }
0x96: {  	_ =	strace s3  }
0x97: {  	_ =	strace $0x8FFFFFFF  }
0x98: {  	s19 =	sld [smem:$0x3FDB];
	_ =	sdelay $0x1  }
0x99: {  	s4 =	simm.s32 $_scs_section_size  }
0x9a: {  	s5 =	simm.s32 $_size__tile_overlayer_lowered;
	s6 =	simm.s32 $_tile_overlayer_lowered  }
0x9b: {  	s22 =	simm.s32 $0x1BFF;
	s21 =	sshll.u32 s6, $0x1;
	s3 =	sadd.s32 s4, s19  }
0x9c: {  	s7 =	simm.s32 $0x0;
	s20 =	sshll.u32 s5, $0x1;
	s5 =	sadd.s32 s21, s3  }
0x9d: {  	[timem:s7], [sflag:s22] =	dma.local [hbm:s5], s20  }
0x9e: {  	_ =	swait.ge [sflag:s22], s20  }
0x9f: {  	s4 =	ssub.s32 $0x0, s20;
	[sflag:s22] =	ssyncset.done $0x0  }
0xa0: {  	[sflag:s22] =	ssyncadd.s32 s4;
	_ =	sdelay $0x1  }
0xa1: {  	s23 =	simm.s32 $0x1B8B  }
0xa2: {  	_ =	swait.ge [sflag:s23], $0x1  }
0xa3: {  	[sflag:s23] =	ssyncset.done $0x0  }
0xa4: {  	s25 =	simm.s32 $0x1B8E;
	s24 =	sld [smem:$0x3FFE];
	[sflag:s23] =	ssyncadd.s32 $0xFFFFFFFF  }
0xa5: {  	s26 =	simm.s32 $execute0_lowered;
	[smem:$0x3FD2] =	sst s25  }
0xa6: {  	s5 =	sshll.u32 s26, $0x1;
	_ =	strace $0x80000046;
	[dreg:$0x1] =	wrdreg $0xFFFFFFFF  }
0xa7: {  	s28 =	simm.s32 $_size_execute0_lowered;
	s3 =	sadd.s32 s3, s5;
	[dreg:$0x0] =	wrdreg $0x0  }
0xa8: {  	s5 =	sshll.u32 s28, $0x1;
	[dreg:$0x2] =	wrdreg s3  }
0xa9: {  	[dreg:$0x3] =	wrdreg s5  }
0xaa: {  	[dreg:$0x4] =	wrdreg $0xC0  }
0xab: {  	_ =	task [dreg:s7], $0x5FFFF  }
0xac: {  	[dreg:$0x1] =	wrdreg $0xFFFFFFFF  }
0xad: {  	[dreg:$0x0] =	wrdreg $0x60  }
0xae: {  	[dreg:$0x2] =	wrdreg s2  }
0xaf: {  	[dreg:$0x3] =	wrdreg s24  }
0xb0: {  	[dreg:$0x4] =	wrdreg $0x94000  }
0xb1: {  	[dreg:$0x5] =	wrdreg $0x1CC800  }
0xb2: {  	[dreg:$0x6] =	wrdreg $0x9  }
0xb3: {  	_ =	task.clear_ibuf [dreg:s7], $0x7FFFF;
	_ =	strace $0x90000046  }
0xb4: {  	s29 =	simm.s32 $0x9;
	_ =	strace $0x80000048  }
0xb5: {  	_ =	swait.ge [sflag:s29], $0x1  }
0xb6: {  	[sflag:s29] =	ssyncadd.s32 $0xFFFFFFFF  }
0xb7: {  	_ =	strace $0x90000048  }
0xb8: {  	_ =	sfence  }
0xb9: {  	s30 =	sld [smem:$0x0];
	_ =	sdelay $0x2  }
0xba: {  	s31 =	sshll.u32 s1, $0xD;
	s1 =	sshrl.u32 s1, $0x2  }
0xbb: {  	s3 =	sand.u32 $0x4000, s31;
	s1 =	sadd.s32 s1, s30  }
0xbc: {  	s0 =	sor.u32 s3, s0;
	s1 =	sshll.u32 s1, $0x11  }
0xbd: {  	s0 =	sor.u32 s1, s0  }
0xbe: {  	s0 =	sadd.s32 $0x8F2B, s0  }
0xbf: {  	[sflag:s0] =	ssyncadd.remote.s32 $0x1  }
0xc0: {  	_ =	sfence.sel $0xFFFF  }
0xc1: {  	[dreg:$0x0] =	wrdreg $0xFFFFFFFF;
	(pc) =	sbr.abs _section_cstart, $3  }
0xc2: {  	[dreg:$0x1] =	wrdreg $0xFFFFFFFF  }
0xc3: {  	_ =	task.clear_ibuf [dreg:s7], $0x2FFFF;
	_ =	strace $0x9FFFFFFF  }
0xc4: {  	(tm) =	ssettm $0x7FFFFFFF  }
0xc5: {  	_ =	shalt  }
tec
execute0_lowered:
.L_overlay_start_1:
0x0: {  	(tag) =	ssettag $0x1  }
0x1: {  	s1 =	rddreg [dreg:$0x0]  }
0x2: {  	s0 =	rddreg [dreg:$0x1]  }
0x3: {  	s3 =	rddreg [dreg:$0x2]  }
0x4: {  	s4 =	rddreg [dreg:$0x3];
	s2 =	srdreg.scid  }
0x5: {  	s19 =	stileid.u32;
	s5 =	simm.s32 $0x0;
	s28 =	simm.s32 $0x6900  }
0x6: {  	s29 =	simm.s32 $0x4080;
	s30 =	simm.s32 $0x1;
	s9 =	smul.u32 $0x2800, s19  }
0x7: {  	s31 =	simm.s32 $0x5;
	s2 =	sand.u32 $0x1, s2;
	s11 =	smul.u32 $0x280, s19  }
0x8: {  	s6 =	sshll.u32 s19, $0xF;
	[smem:$0x7FF] =	sst s5;
	s13 =	smul.u32 $0x50000, s19  }
0x9: {  	s15 =	sadd.s32 $0x4A400, s0;
	s17 =	sadd.s32 $0x49A00, s0;
	s22 =	smul.u32 $0x14000, s19  }
0xa: {  	p0 =	seq.s32 s19, $0xF;
	s7 =	sshll.u32 s2, $0xE;
	s16 =	smul.u32 $0x138800, s2  }
0xb: {  	_ =	strace $0x80000047;
	s21 =	ssub.s32 $0x2, s2;
	s2 =	smul.u32 $0x2710, s2  }
0xc: {  	s6 =	sor.u32 s7, s6;
	s7 =	sadd.s32 $0x2800, s0;
	s12 =	sadd.s32 s9, s0  }
0xd: {  	s14 =	sshrl.u32 s21, $0x1;
	s24 =	sshrl.u32 s13, $0x2;
	s8 =	sshrl.u32 s6, $0x3  }
0xe: {  	s18 =	ssub.s32 s21, s14;
	s25 =	sadd.s32 $0x22800, s12;
	s26 =	sadd.s32 s22, s16  }
0xf: {  	s12 =	sadd.s32 $0x12C000, s3;
	s14 =	sadd.s32 s11, s4;
	s20 =	sadd.s32 s11, s2  }
0x10: {  	s21 =	sshrl.u32 s16, $0x3;
	s2 =	sshrl.u32 s2, $0x3;
	s11 =	simm.s32 $0x4  }
0x11: {  	s10 =	sadd.s32 s8, s0;
	s9 =	sadd.s32 s7, s8;
	[dreg:$0x7] =	wrdreg s25  }
0x12: {  	s8 =	sadd.s32 s24, s3;
	[dreg:$0x8] =	wrdreg s12;
	s0 =	sadd.s32 $0x48000, s0  }
0x13: {  	s2 =	sadd.s32 s17, s2;
	s24 =	smax.u32 s18, $0x1;
	[dreg:$0x6] =	wrdreg s8  }
0x14: {  	s12 =	simm.s32 $0x0;
	s23 =	sadd.s32 $0x12800, s10;
	[dreg:$0x9] =	wrdreg s0  }
0x15: {  	s8 =	sshrl.u32 s26, $0x3;
	s0 =	sshrl.u32 s20, $0x3;
	[dreg:$0xe] =	wrdreg s24  }
0x16: {  	s25 =	sadd.s32 $0x10, s9;
	s26 =	sadd.s32 $0x20, s9;
	s24 =	simm.s32 $0x50  }
0x17: {  	s10 =	simm.s32 $0x6;
	[dreg:$0x5] =	wrdreg s23;
	s13 =	sadd.s32 s15, s8  }
0x18: {  	s8 =	sadd.s32 s15, s21;
	s0 =	sadd.s32 s17, s0;
	[dreg:$0xf] =	wrdreg s25  }
0x19: {  	s23 =	sadd.s32 $0x4B0, s2;
	s21 =	smov.u32 s9;
	[dreg:$0x10] =	wrdreg s26  }
0x1a: {  	s25 =	simm.s32 $0x4100;
	s26 =	simm.s32 $0x3;
	[dreg:$0xa] =	wrdreg s13  }
0x1b: {  	s2 =	simm.s32 $0x7;
	[dreg:$0xb] =	wrdreg s0;
	s22 =	sadd.s32 $0x25800, s8  }
0x1c: {  	[dreg:$0xd] =	wrdreg s23;
	s23 =	simm.s32 $0x8;
	s0 =	simm.s32 $0x9100  }
0x1d: {  	v0 =	vimm.f32 $1.000000000e+00;
	v1 =	vimm.f32 $0.0e+00;
	s8 =	simm.s32 $0x2;
	[dreg:$0xc] =	wrdreg s22;
	s22 =	simm.s32 $0x4000  }
.LBB2_1:
0x1e: {  	s9 =	rddreg [dreg:$0x5]  }
0x1f: {  	[tilespmem:s5], [sflag:$0x8] =	stream.linear.gather [hbm4b:s9+s5], $0x3E80, $0x38;
	[tilespmem:$0x1CEF8] =	vst v63  }
0x20: {  	s9 =	rddreg [dreg:$0x8]  }
0x21: {  	s13 =	simm.s32 @p0 $0x1FC9;
	s16 =	sshrl.u32 @p0 s9, $0x3;
	s9 =	rddreg [dreg:$0x9]  }
0x22: {  	[tilespmem:s22], [sflag:$0x5] =	stream.linear.gather [hbm4b:s21+s5], $0x80, $0x38;
	[tilespmem:$0x1CEF8] =	vst v63  }
0x23: {  	[spmem:s16], [sflag:s13] =	dma.local @p0 [hbm:s9], $0x1900  }
0x24: {  	s17 =	simm.s32 @p0 $0x9;
	s9 =	stileid.u32  }
0x25: {  	s18 =	simm.s32 @!p0 $0x9;
	_ =	swait.ge @p0 [sflag:s17], $0x1900;
	s13 =	sshll.u32 @!p0 s9, $0x6  }
0x26: {  	[sflag:s17] =	ssyncset.done @p0 $0x0;
	s13 =	sor.u32 @!p0 $0x1C09, s13;
	s9 =	rddreg [dreg:$0x6]  }
0x27: {  	[sflag:s17] =	ssyncadd.s32 @p0 $0xFFFFE700;
	s15 =	sshrl.u32 @!p0 s9, $0x3;
	s9 =	rddreg [dreg:$0x7]  }
0x28: {  	[spmem:s15], [sflag:s13] =	dma.local @!p0 [hbm:s9], $0x2800  }
0x29: {  	_ =	swait.ge @!p0 [sflag:s18], $0x2800  }
0x2a: {  	[sflag:s18] =	ssyncset.done @!p0 $0x0  }
0x2b: {  	[sflag:s18] =	ssyncadd.s32 @!p0 $0xFFFFD800  }
0x2c: {  	[tilespmem:$0x9100] =	vst v0  }
0x2d: {  	[tilespmem:$0x9110] =	vst v0  }
0x2e: {  	[tilespmem:$0x9120] =	vst v0  }
0x2f: {  	[tilespmem:$0x9130] =	vst v0  }
0x30: {  	[tilespmem:$0x9140] =	vst v0  }
0x31: {  	[tilespmem:$0x9180] =	vst v1  }
0x32: {  	[tilespmem:$0x9190] =	vst v1  }
0x33: {  	[tilespmem:$0x91A0] =	vst v1  }
0x34: {  	[tilespmem:$0x91B0] =	vst v1  }
0x35: {  	[tilespmem:$0x91C0] =	vst v1  }
0x36: {  	[tilespmem:$0x91D0] =	vst v1  }
0x37: {  	[tilespmem:$0x91E0] =	vst v1  }
0x38: {  	[tilespmem:$0x91F0] =	vst v1  }
0x39: {  	[tilespmem:$0x9200] =	vst v1  }
0x3a: {  	[tilespmem:$0x9210] =	vst v1  }
0x3b: {  	[tilespmem:$0x9220] =	vst v1  }
0x3c: {  	[tilespmem:$0x9230] =	vst v1  }
0x3d: {  	[tilespmem:$0x9240] =	vst v1  }
0x3e: {  	[tilespmem:$0x9250] =	vst v1  }
0x3f: {  	[tilespmem:$0x9260] =	vst v1  }
0x40: {  	[tilespmem:$0x9270] =	vst v1  }
0x41: {  	[tilespmem:$0x9280] =	vst v1  }
0x42: {  	[tilespmem:$0x9290] =	vst v1  }
0x43: {  	[tilespmem:$0x92A0] =	vst v1  }
0x44: {  	[tilespmem:$0x92B0] =	vst v1  }
0x45: {  	[tilespmem:$0x92C0] =	vst v1  }
0x46: {  	[tilespmem:$0x92D0] =	vst v1  }
0x47: {  	[tilespmem:$0x92E0] =	vst v1  }
0x48: {  	[tilespmem:$0x92F0] =	vst v1  }
0x49: {  	[tilespmem:$0x9300] =	vst v1  }
0x4a: {  	[tilespmem:$0x9310] =	vst v1  }
0x4b: {  	[tilespmem:$0x9320] =	vst v1  }
0x4c: {  	[tilespmem:$0x9330] =	vst v1  }
0x4d: {  	[tilespmem:$0x9340] =	vst v1  }
0x4e: {  	[tilespmem:$0x9350] =	vst v1  }
0x4f: {  	[tilespmem:$0x9360] =	vst v1  }
0x50: {  	[tilespmem:$0x9370] =	vst v1  }
0x51: {  	[tilespmem:$0x9380] =	vst v1  }
0x52: {  	[tilespmem:$0x9390] =	vst v1  }
0x53: {  	[tilespmem:$0x93A0] =	vst v1  }
0x54: {  	[tilespmem:$0x93B0] =	vst v1  }
0x55: {  	[tilespmem:$0x93C0] =	vst v1  }
0x56: {  	[tilespmem:$0x93D0] =	vst v1  }
0x57: {  	[tilespmem:$0x93E0] =	vst v1  }
0x58: {  	s19 =	simm.s32 @p0 $0x9180;
	[tilespmem:$0x93F0] =	vst v1  }
0x59: {  	[spmem:s14] =	stream.linear.scatter @p0 [tilespmem:s19], [sflag:$0x9], $0x190, $0x38;
	[tilespmem:$0x1CEF8] =	vst v63  }
0x5a: {  	_ =	swait.ge @p0 [sflag:s17], $0x190  }
0x5b: {  	[sflag:s17] =	ssyncset.done @p0 $0x0  }
0x5c: {  	[sflag:s17] =	ssyncadd.s32 @p0 $0xFFFFFE70;
	s17 =	simm.s32 @!p0 $0x9180  }
0x5d: {  	[spmem:s14] =	stream.linear.scatter @!p0 [tilespmem:s17], [sflag:$0x9], $0x280, $0x38;
	[tilespmem:$0x1CEF8] =	vst v63  }
0x5e: {  	_ =	swait.ge @!p0 [sflag:s18], $0x280  }
0x5f: {  	[sflag:s18] =	ssyncset.done @!p0 $0x0  }
0x60: {  	[sflag:s18] =	ssyncadd.s32 @!p0 $0xFFFFFD80  }
0x61: {  	_ =	swait.ge [sflag:s23], $0x3E80  }
0x62: {  	[sflag:s23] =	ssyncset.done $0x0  }
0x63: {  	[sflag:s23] =	ssyncadd.s32 $0xFFFFC180  }
0x64: {  	[tilespmem:s25], [sflag:$0x1] =	stream.indirect.gather [hbm4b:s1+s24], $0x80, s5, s24, $0xb8;
	[tilespmem:$0x1CEF8] =	vst v63  }
0x65: {  	s18 =	simm.s32 $0x80;
	[bflag:$0x0] =	sbarrier.arrive $0xFFFF  }
0x66: {  	[tilespmem:s28], [sflag:$0x2] =	stream.indirect.gather [hbm4b:s1+s24], $0x80, s18, s24, $0xb8;
	[tilespmem:$0x1CEF8] =	vst v63  }
0x67: {  	s19 =	rddreg [dreg:$0xf]  }
0x68: {  	[tilespmem:s29], [sflag:$0x6] =	stream.linear.gather [hbm4b:s19+s5], $0x80, $0x38;
	[tilespmem:$0x1CEF8] =	vst v63  }
0x69: {  	_ =	swait.ge [sflag:s30], $0x2800  }
0x6a: {  	[sflag:s30] =	ssyncset.done $0x0  }
0x6b: {  	[sflag:s30] =	ssyncadd.s32 $0xFFFFD800  }
0x6c: {  	_ =	swait.ge [sflag:s31], $0x80  }
0x6d: {  	[sflag:s31] =	ssyncset.done $0x0  }
0x6e: {  	[sflag:s31] =	ssyncadd.s32 $0xFFFFFF80  }
0x6f: {  	[spmem:s3] =	stream.indirect.scatter.add.f32 [tilespmem:s25], [sflag:$0x3], $0x80, s22, s24, $0xb8;
	[tilespmem:$0x1CEF8] =	vst v63  }
0x70: {  	_ = 	snop  }
0x71: {  	[spmem:s4] =	stream.indirect.scatter.add.f32 [tilespmem:s0], [sflag:$0x7], $0x1, s22, s24, $0xb8;
	[tilespmem:$0x1CEF8] =	vst v63  }
0x72: {  	_ =	swait.ge [sflag:s26], $0x2800  }
0x73: {  	[sflag:s26] =	ssyncset.done $0x0  }
0x74: {  	[sflag:s26] =	ssyncadd.s32 $0xFFFFD800  }
0x75: {  	_ =	swait.ge [sflag:s2], $0x50  }
0x76: {  	[sflag:s2] =	ssyncset.done $0x0  }
0x77: {  	s20 =	simm.s32 $0x100;
	[sflag:s2] =	ssyncadd.s32 $0xFFFFFFB0  }
0x78: {  	[tilespmem:s25], [sflag:$0x1] =	stream.indirect.gather [hbm4b:s1+s24], $0x80, s20, s24, $0xb8;
	[tilespmem:$0x1CEF8] =	vst v63  }
0x79: {  	s17 =	rddreg [dreg:$0x10]  }
0x7a: {  	[tilespmem:s22], [sflag:$0x5] =	stream.linear.gather [hbm4b:s17+s5], $0x80, $0x38;
	[tilespmem:$0x1CEF8] =	vst v63  }
0x7b: {  	_ =	swait.ge [sflag:s8], $0x2800  }
0x7c: {  	[sflag:s8] =	ssyncset.done $0x0  }
0x7d: {  	[sflag:s8] =	ssyncadd.s32 $0xFFFFD800  }
0x7e: {  	_ =	swait.ge [sflag:s10], $0x80  }
0x7f: {  	[sflag:s10] =	ssyncset.done $0x0  }
0x80: {  	[sflag:s10] =	ssyncadd.s32 $0xFFFFFF80  }
0x81: {  	[spmem:s3] =	stream.indirect.scatter.add.f32 [tilespmem:s28], [sflag:$0x4], $0x80, s29, s24, $0xb8;
	[tilespmem:$0x1CEF8] =	vst v63  }
0x82: {  	_ = 	snop  }
0x83: {  	[spmem:s4] =	stream.indirect.scatter.add.f32 [tilespmem:s0], [sflag:$0x7], $0x1, s29, s24, $0xb8;
	[tilespmem:$0x1CEF8] =	vst v63  }
0x84: {  	_ =	swait.ge [sflag:s11], $0x2800  }
0x85: {  	s18 =	simm.s32 $0x180;
	s19 =	simm.s32 $0x100;
	[sflag:s11] =	ssyncset.done $0x0  }
0x86: {  	s17 =	sand.u32 $0x380, s18;
	s18 =	sand.u32 $0x3C00, s19;
	[sflag:s11] =	ssyncadd.s32 $0xFFFFD800  }
0x87: {  	s17 =	sor.u32 s17, s18;
	_ =	swait.ge [sflag:s2], $0x50  }
0x88: {  	s18 =	sor.u32 s6, s17;
	[sflag:s2] =	ssyncset.done $0x0  }
0x89: {  	s17 =	simm.s32 $0x180;
	s18 =	sshrl.u32 s18, $0x3;
	[sflag:s2] =	ssyncadd.s32 $0xFFFFFFB0  }
0x8a: {  	[tilespmem:s28], [sflag:$0x2] =	stream.indirect.gather [hbm4b:s1+s24], $0x80, s17, s24, $0xb8;
	[tilespmem:$0x1CEF8] =	vst v63  }
0x8b: {  	s18 =	sadd.s32 s7, s18  }
0x8c: {  	[tilespmem:s29], [sflag:$0x6] =	stream.linear.gather [hbm4b:s18+s5], $0x80, $0x38;
	[tilespmem:$0x1CEF8] =	vst v63  }
0x8d: {  	_ =	swait.ge [sflag:s30], $0x2800  }
0x8e: {  	[sflag:s30] =	ssyncset.done $0x0  }
0x8f: {  	[sflag:s30] =	ssyncadd.s32 $0xFFFFD800  }
0x90: {  	_ =	swait.ge [sflag:s31], $0x80  }
0x91: {  	[sflag:s31] =	ssyncset.done $0x0  }
0x92: {  	[sflag:s31] =	ssyncadd.s32 $0xFFFFFF80  }
0x93: {  	[spmem:s3] =	stream.indirect.scatter.add.f32 [tilespmem:s25], [sflag:$0x3], $0x80, s22, s24, $0xb8;
	[tilespmem:$0x1CEF8] =	vst v63  }
0x94: {  	_ = 	snop  }
0x95: {  	[spmem:s4] =	stream.indirect.scatter.add.f32 [tilespmem:s0], [sflag:$0x7], $0x1, s22, s24, $0xb8;
	[tilespmem:$0x1CEF8] =	vst v63  }
0x96: {  	_ =	swait.ge [sflag:s26], $0x2800  }
0x97: {  	s20 =	simm.s32 $0x200;
	[sflag:s26] =	ssyncset.done $0x0  }
0x98: {  	s9 =	sand.u32 $0x7C00, s20;
	[sflag:s26] =	ssyncadd.s32 $0xFFFFD800  }
0x99: {  	s19 =	sadd.s32 s6, s9;
	s18 =	sand.u32 $0x300, s20;
	_ =	swait.ge [sflag:s2], $0x50  }
0x9a: {  	s18 =	sor.u32 s18, s19;
	[sflag:s2] =	ssyncset.done $0x0  }
0x9b: {  	s20 =	simm.s32 $0x200;
	s18 =	sshrl.u32 s18, $0x3;
	[sflag:s2] =	ssyncadd.s32 $0xFFFFFFB0  }
0x9c: {  	[tilespmem:s25], [sflag:$0x1] =	stream.indirect.gather [hbm4b:s1+s24], $0x80, s20, s24, $0xb8;
	[tilespmem:$0x1CEF8] =	vst v63  }
0x9d: {  	s18 =	sadd.s32 s7, s18  }
0x9e: {  	[tilespmem:s22], [sflag:$0x5] =	stream.linear.gather [hbm4b:s18+s5], $0x80, $0x38;
	[tilespmem:$0x1CEF8] =	vst v63  }
0x9f: {  	_ =	swait.ge [sflag:s8], $0x2800  }
0xa0: {  	[sflag:s8] =	ssyncset.done $0x0  }
0xa1: {  	[sflag:s8] =	ssyncadd.s32 $0xFFFFD800  }
0xa2: {  	_ =	swait.ge [sflag:s10], $0x80  }
0xa3: {  	[sflag:s10] =	ssyncset.done $0x0  }
0xa4: {  	s18 =	simm.s32 $0x300;
	[sflag:s10] =	ssyncadd.s32 $0xFFFFFF80  }
0xa5: {  	[spmem:s3] =	stream.indirect.scatter.add.f32 [tilespmem:s28], [sflag:$0x4], $0x80, s29, s24, $0xb8;
	[tilespmem:$0x1CEF8] =	vst v63  }
.LBB2_2:
0xa6: {  	p1 =	sne.s32 s18, $0x3E00  }
0xa7: {  	s17 =	sadd.s32 $0x100, s17;
	s19 =	smov.u32 s18;
	s18 =	sadd.s32 $0x100, s18  }
0xa8: {  	[spmem:s4] =	stream.indirect.scatter.add.f32 [tilespmem:s0], [sflag:$0x7], $0x1, s29, s24, $0xb8;
	[tilespmem:$0x1CEF8] =	vst v63  }
0xa9: {  	_ =	swait.ge [sflag:s11], $0x2800  }
0xaa: {  	s20 =	sadd.s32 $0xFFFFFF80, s19;
	s9 =	sadd.s32 $0xFFFFFF00, s19;
	[sflag:s11] =	ssyncset.done $0x0  }
0xab: {  	s20 =	sand.u32 $0x380, s20;
	s9 =	sand.u32 $0x3C00, s9;
	[sflag:s11] =	ssyncadd.s32 $0xFFFFD800  }
0xac: {  	s9 =	sor.u32 s20, s9;
	_ =	swait.ge [sflag:s2], $0x50  }
0xad: {  	s9 =	sor.u32 s6, s9;
	[sflag:s2] =	ssyncset.done $0x0  }
0xae: {  	s9 =	sshrl.u32 s9, $0x3;
	[sflag:s2] =	ssyncadd.s32 $0xFFFFFFB0  }
0xaf: {  	[tilespmem:s28], [sflag:$0x2] =	stream.indirect.gather [hbm4b:s1+s24], $0x80, s17, s24, $0xb8;
	[tilespmem:$0x1CEF8] =	vst v63  }
0xb0: {  	s9 =	sadd.s32 s7, s9  }
0xb1: {  	[tilespmem:s29], [sflag:$0x6] =	stream.linear.gather [hbm4b:s9+s5], $0x80, $0x38;
	[tilespmem:$0x1CEF8] =	vst v63  }
0xb2: {  	_ =	swait.ge [sflag:s30], $0x2800  }
0xb3: {  	[sflag:s30] =	ssyncset.done $0x0  }
0xb4: {  	[sflag:s30] =	ssyncadd.s32 $0xFFFFD800  }
0xb5: {  	_ =	swait.ge [sflag:s31], $0x80  }
0xb6: {  	[sflag:s31] =	ssyncset.done $0x0  }
0xb7: {  	[sflag:s31] =	ssyncadd.s32 $0xFFFFFF80  }
0xb8: {  	[spmem:s3] =	stream.indirect.scatter.add.f32 [tilespmem:s25], [sflag:$0x3], $0x80, s22, s24, $0xb8;
	[tilespmem:$0x1CEF8] =	vst v63  }
0xb9: {  	_ = 	snop  }
0xba: {  	[spmem:s4] =	stream.indirect.scatter.add.f32 [tilespmem:s0], [sflag:$0x7], $0x1, s22, s24, $0xb8;
	[tilespmem:$0x1CEF8] =	vst v63  }
0xbb: {  	_ =	swait.ge [sflag:s26], $0x2800  }
0xbc: {  	[sflag:s26] =	ssyncset.done $0x0  }
0xbd: {  	s9 =	sand.u32 $0x7C00, s19;
	[sflag:s26] =	ssyncadd.s32 $0xFFFFD800  }
0xbe: {  	s19 =	sand.u32 $0x300, s19;
	s9 =	sadd.s32 s6, s9;
	_ =	swait.ge [sflag:s2], $0x50  }
0xbf: {  	s9 =	sor.u32 s19, s9;
	[sflag:s2] =	ssyncset.done $0x0  }
0xc0: {  	s19 =	sadd.s32 $0x80, s17;
	s9 =	sshrl.u32 s9, $0x3;
	[sflag:s2] =	ssyncadd.s32 $0xFFFFFFB0  }
0xc1: {  	[tilespmem:s25], [sflag:$0x1] =	stream.indirect.gather [hbm4b:s1+s24], $0x80, s19, s24, $0xb8;
	[tilespmem:$0x1CEF8] =	vst v63  }
0xc2: {  	s9 =	sadd.s32 s7, s9  }
0xc3: {  	[tilespmem:s22], [sflag:$0x5] =	stream.linear.gather [hbm4b:s9+s5], $0x80, $0x38;
	[tilespmem:$0x1CEF8] =	vst v63  }
0xc4: {  	_ =	swait.ge [sflag:s8], $0x2800  }
0xc5: {  	[sflag:s8] =	ssyncset.done $0x0  }
.Ltmp0:
0xc6: {  	[sflag:s8] =	ssyncadd.s32 $0xFFFFD800;
	(pc) =	sbr.rel @p1 .LBB2_2-.Ltmp0, $4  }
0xc7: {  	_ =	swait.ge [sflag:s10], $0x80  }
0xc8: {  	[sflag:s10] =	ssyncset.done $0x0  }
0xc9: {  	[sflag:s10] =	ssyncadd.s32 $0xFFFFFF80  }
0xca: {  	[spmem:s3] =	stream.indirect.scatter.add.f32 [tilespmem:s28], [sflag:$0x4], $0x80, s29, s24, $0xb8;
	[tilespmem:$0x1CEF8] =	vst v63  }
0xcb: {  	[spmem:s4] =	stream.indirect.scatter.add.f32 [tilespmem:s0], [sflag:$0x7], $0x1, s29, s24, $0xb8;
	[tilespmem:$0x1CEF8] =	vst v63  }
0xcc: {  	_ =	swait.ge [sflag:s11], $0x2800  }
0xcd: {  	[sflag:s11] =	ssyncset.done $0x0  }
0xce: {  	[sflag:s11] =	ssyncadd.s32 $0xFFFFD800  }
0xcf: {  	_ =	swait.ge [sflag:s2], $0x50  }
0xd0: {  	[sflag:s2] =	ssyncset.done $0x0  }
0xd1: {  	[sflag:s2] =	ssyncadd.s32 $0xFFFFFFB0  }
0xd2: {  	_ =	swait.ge [sflag:s30], $0x2800  }
0xd3: {  	[sflag:s30] =	ssyncset.done $0x0  }
0xd4: {  	[sflag:s30] =	ssyncadd.s32 $0xFFFFD800  }
0xd5: {  	_ =	swait.ge [sflag:s31], $0x80  }
0xd6: {  	[sflag:s31] =	ssyncset.done $0x0  }
0xd7: {  	[sflag:s31] =	ssyncadd.s32 $0xFFFFFF80  }
0xd8: {  	[spmem:s3] =	stream.indirect.scatter.add.f32 [tilespmem:s25], [sflag:$0x3], $0x80, s22, s24, $0xb8;
	[tilespmem:$0x1CEF8] =	vst v63  }
0xd9: {  	_ = 	snop  }
0xda: {  	[spmem:s4] =	stream.indirect.scatter.add.f32 [tilespmem:s0], [sflag:$0x7], $0x1, s22, s24, $0xb8;
	[tilespmem:$0x1CEF8] =	vst v63  }
0xdb: {  	_ =	swait.ge [sflag:s26], $0x2800  }
0xdc: {  	[sflag:s26] =	ssyncset.done $0x0  }
0xdd: {  	[sflag:s26] =	ssyncadd.s32 $0xFFFFD800  }
0xde: {  	_ =	swait.ge [sflag:s2], $0x50  }
0xdf: {  	[sflag:s2] =	ssyncset.done $0x0  }
0xe0: {  	[sflag:s2] =	ssyncadd.s32 $0xFFFFFFB0  }
0xe1: {  	[bflag:$0x0] =	sbarrier.arrive $0xFFFF  }
0xe2: {  	s9 =	simm.s32 @p0 $0x1FC9;
	s17 =	rddreg [dreg:$0xc]  }
0xe3: {  	[hbm:s17], [sflag:s9] =	dma.local @p0 [spmem:s16], $0x1900  }
0xe4: {  	s9 =	simm.s32 @p0 $0x9  }
0xe5: {  	_ =	swait.ge @p0 [sflag:s9], $0x1900  }
0xe6: {  	[sflag:s9] =	ssyncset.done @p0 $0x0  }
0xe7: {  	s16 =	simm.s32 @p0 $0x9180;
	[sflag:s9] =	ssyncadd.s32 @p0 $0xFFFFE700  }
0xe8: {  	[tilespmem:s16], [sflag:$0x9] =	stream.linear.gather @p0 [spmem:s14], $0x190, $0x38;
	[tilespmem:$0x1CEF8] =	vst v63  }
0xe9: {  	_ =	swait.ge @p0 [sflag:s9], $0x190  }
0xea: {  	[sflag:s9] =	ssyncset.done @p0 $0x0  }
0xeb: {  	s17 =	simm.s32 @p0 $0x0;
	s18 =	rddreg [dreg:$0xd];
	[sflag:s9] =	ssyncadd.s32 @p0 $0xFFFFFE70  }
0xec: {  	[hbm4b:s18+s17] =	stream.linear.scatter @p0 [tilespmem:s16], [sflag:$0x9], $0x190, $0x38;
	[tilespmem:$0x1CEF8] =	vst v63  }
0xed: {  	_ =	swait.ge @p0 [sflag:s9], $0x190  }
0xee: {  	[sflag:s9] =	ssyncset.done @p0 $0x0  }
0xef: {  	[sflag:s9] =	ssyncadd.s32 @p0 $0xFFFFFE70;
	s9 =	rddreg [dreg:$0xa]  }
0xf0: {  	[hbm:s9], [sflag:s13] =	dma.local @!p0 [spmem:s15], $0x2800  }
0xf1: {  	s9 =	simm.s32 @!p0 $0x9  }
0xf2: {  	_ =	swait.ge @!p0 [sflag:s9], $0x2800  }
0xf3: {  	[sflag:s9] =	ssyncset.done @!p0 $0x0  }
0xf4: {  	s13 =	simm.s32 @!p0 $0x9180;
	[sflag:s9] =	ssyncadd.s32 @!p0 $0xFFFFD800  }
0xf5: {  	[tilespmem:s13], [sflag:$0x9] =	stream.linear.gather @!p0 [spmem:s14], $0x280, $0x38;
	[tilespmem:$0x1CEF8] =	vst v63  }
0xf6: {  	_ =	swait.ge @!p0 [sflag:s9], $0x280  }
0xf7: {  	[sflag:s9] =	ssyncset.done @!p0 $0x0  }
0xf8: {  	s15 =	simm.s32 @!p0 $0x0;
	s16 =	rddreg [dreg:$0xb];
	[sflag:s9] =	ssyncadd.s32 @!p0 $0xFFFFFD80  }
0xf9: {  	[hbm4b:s16+s15] =	stream.linear.scatter @!p0 [tilespmem:s13], [sflag:$0x9], $0x280, $0x38;
	[tilespmem:$0x1CEF8] =	vst v63  }
0xfa: {  	_ =	swait.ge @!p0 [sflag:s9], $0x280  }
0xfb: {  	s12 =	sadd.s32 $0x1, s12;
	s20 =	rddreg [dreg:$0xe]  }
0xfc: {  	p1 =	sne.s32 s12, s20  }
.Ltmp1:
0xfd: {  	_ = 	snop;
	(pc) =	sbr.rel @p1 .LBB2_1-.Ltmp1, $3  }
0xfe: {  	_ =	sdelay $0x1  }
0xff: {  	[sflag:s9] =	ssyncset.done @!p0 $0x0  }
0x100: {  	[sflag:s9] =	ssyncadd.s32 @!p0 $0xFFFFFD80  }
0x101: {  	_ =	sfence.sel $0x180000  }
0x102: {  	[bflag:$0x0] =	sbarrier.arrive $0xFFFF  }
0x103: {  	_ =	strace $0x90000047  }
0x104: {  	s0 =	stileid.u32;
	[bflag:$0x2] =	sbarrier.arrive $0xFFFF  }
0x105: {  	p0 =	sne.s32 s0, $0x0;
	s0 =	rddreg [dreg:$0x4]  }
0x106: {  	s0 =	sadd.s32 @!p0 $0x100000, s0  }
0x107: {  	[sflag:s0] =	ssyncadd.tile.s32 @!p0 $0x1;
	_ =	shalt  }
.Lfunc_end2:
_tile_overlayer_lowered:
.L_overlay_start_2:
0x108: {  	(tag) =	ssettag $0x2  }
0x109: {  	s0 =	rddreg [dreg:$0x0];
	s2 =	stileid.u32  }
0x10a: {  	s1 =	rddreg [dreg:$0x1];
	p0 =	sne.s32 s2, $0x0  }
0x10b: {  	s3 =	rddreg [dreg:$0x2];
	[bflag:$0x3] =	sbarrier.arrive $0xFFFF;
	s2 =	simm.s32 @!p0 $0x1C09  }
0x10c: {  	[timem:s3], [sflag:s2] =	dma.local @!p0 [hbm:s0], s1  }
0x10d: {  	s0 =	simm.s32 @!p0 $0x9  }
0x10e: {  	_ =	swait.ge @!p0 [sflag:s0], s1  }
0x10f: {  	s1 =	ssub.s32 @!p0 $0x0, s1;
	[sflag:s0] =	ssyncset.done @!p0 $0x0  }
0x110: {  	[sflag:s0] =	ssyncadd.s32 @!p0 s1  }
0x111: {  	[bflag:$0x3] =	sbarrier.arrive $0xFFFF  }
0x112: {  	_ =	shalt  }

</sc_bundles>
